<compile_context>
chip_gen: v7x
topology: tpu7x:2x2x1
jax: 0.10.2.dev20260603
libtpu: 0.0.44.dev20260713+nightly
codegen_flags: <defaults>
</compile_context>

<pallas_src>
import numpy as np

import jax
import jax.numpy as jnp
from jax import lax
from jax.experimental import pallas as pl
from jax.experimental.pallas import tpu as pltpu
from jax.experimental.pallas import tpu_sc as plsc

N = 10000
FD = 128
A = 2
E = 160000
H = 32

L = 16
NPAD = 10240
NPT = 640
MCHUNK = 1000
EROWS = E // MCHUNK
MCH = EROWS // 32
DCH = EROWS // 16

_RSQRT_LUT = (1.0 / np.sqrt(np.arange(1, E + 2, dtype=np.float64))).astype(np.float32)


def _sc_body(ei_hbm, xw_hbm, lut_hbm, acc_out, dinv_out,
             y_sh, acc_sh, deg_sh, src_v, dst_v, rows0, rows1,
             ones_v, dinv_v, degidx_v, semA, semB):
    cid = lax.axis_index("c")
    sid = lax.axis_index("s")
    nbase = sid * NPT

    cpA = pltpu.async_copy(ei_hbm.at[1, pl.ds(sid * DCH, MCH), :], src_v, semA)
    cpB = pltpu.async_copy(ei_hbm.at[1, pl.ds(sid * DCH + MCH, MCH), :], dst_v, semB)

    zero16 = jnp.zeros((L,), jnp.float32)
    one16 = jnp.ones((L,), jnp.float32)

    @pl.loop(0, 1024 // L)
    def _(i):
        ones_v[pl.ds(i * L, L)] = one16

    @pl.loop(0, NPT // L)
    def _(i):
        dinv_v[pl.ds(i * L, L)] = zero16

    @pl.loop(0, NPT)
    def _(i):
        rows0[i, 0:16] = zero16
        rows0[i, 16:32] = zero16

    pltpu.sync_copy(dinv_v, deg_sh.at[pl.ds(nbase, NPT)])
    pltpu.sync_copy(rows0.at[pl.ds(0, NPT), :], acc_sh.at[pl.ds(nbase, NPT), :])
    cpA.wait()
    cpB.wait()
    plsc.subcore_barrier()

    degs = []
    for j in range(MCH):
        degs.append(pltpu.async_copy(
            ones_v.at[pl.ds(0, MCHUNK)], deg_sh.at[src_v.at[j]], semA, add=True))
    for j in range(MCH):
        degs.append(pltpu.async_copy(
            ones_v.at[pl.ds(0, MCHUNK)], deg_sh.at[dst_v.at[j]], semB, add=True))

    pltpu.sync_copy(xw_hbm.at[pl.ds(nbase, NPT), :], rows1.at[pl.ds(0, NPT), :])

    for d in degs:
        d.wait()
    plsc.subcore_barrier()

    pltpu.sync_copy(deg_sh.at[pl.ds(nbase, NPT)], dinv_v)

    @pl.loop(0, NPT // L)
    def _(i):
        degidx_v[pl.ds(i * L, L)] = dinv_v[pl.ds(i * L, L)].astype(jnp.int32)

    pltpu.async_copy(lut_hbm.at[degidx_v], dinv_v, semA).wait()

    @pl.when(cid == 0)
    def _():
        pltpu.sync_copy(dinv_v, dinv_out.at[pl.ds(nbase, NPT)])

    @pl.loop(0, NPT)
    def _(i):
        d = plsc.load_gather(dinv_v, [jnp.full((L,), i, jnp.int32)])
        rows1[i, 0:16] = rows1[i, 0:16] * d
        rows1[i, 16:32] = rows1[i, 16:32] * d

    pltpu.sync_copy(rows1.at[pl.ds(0, NPT), :], y_sh.at[pl.ds(nbase, NPT), :])
    plsc.subcore_barrier()

    rbase = cid * (EROWS // 2) + sid * MCH
    cpA = pltpu.async_copy(ei_hbm.at[0, pl.ds(rbase, MCH), :], src_v, semA)
    cpB = pltpu.async_copy(ei_hbm.at[1, pl.ds(rbase, MCH), :], dst_v, semB)
    cpA.wait()
    cpB.wait()

    bufs = (rows0, rows1)
    sems = (semA, semB)
    descs = [None] * MCH
    descs[0] = pltpu.async_copy(y_sh.at[src_v.at[0]], rows0, semA)
    for j in range(MCH):
        descs[j].wait()
        if j + 1 < MCH:
            descs[j + 1] = pltpu.async_copy(
                y_sh.at[src_v.at[j + 1]], bufs[(j + 1) % 2], sems[(j + 1) % 2])
        pltpu.sync_copy(bufs[j % 2], acc_sh.at[dst_v.at[j]], add=True)

    plsc.subcore_barrier()
    pltpu.sync_copy(acc_sh.at[pl.ds(nbase, NPT), :],
                    acc_out.at[cid, pl.ds(nbase, NPT), :])


_sc_fused = pl.kernel(
    _sc_body,
    out_type=(
        jax.ShapeDtypeStruct((2, NPAD, H), jnp.float32),
        jax.ShapeDtypeStruct((NPAD,), jnp.float32),
    ),
    mesh=plsc.VectorSubcoreMesh(core_axis_name="c", subcore_axis_name="s"),
    scratch_types=[
        pltpu.VMEM_SHARED((NPAD, H), jnp.float32),
        pltpu.VMEM_SHARED((NPAD, H), jnp.float32),
        pltpu.VMEM_SHARED((NPAD,), jnp.float32),
        pltpu.VMEM((MCH, MCHUNK), jnp.int32),
        pltpu.VMEM((MCH, MCHUNK), jnp.int32),
        pltpu.VMEM((MCHUNK, H), jnp.float32),
        pltpu.VMEM((MCHUNK, H), jnp.float32),
        pltpu.VMEM((1024,), jnp.float32),
        pltpu.VMEM((NPT,), jnp.float32),
        pltpu.VMEM((NPT,), jnp.int32),
        pltpu.SemaphoreType.DMA,
        pltpu.SemaphoreType.DMA,
    ],
    compiler_params=pltpu.CompilerParams(
        use_tc_tiling_on_sc=False, needs_layout_passes=False),
)


BLK = 2048


def _tc1_body(obs_ref, w1_ref, b1_ref, w2_ref, b2_ref, wg_ref, x_out, xw_out):
    h = jnp.maximum(
        jnp.dot(obs_ref[...], w1_ref[...], preferred_element_type=jnp.float32)
        + b1_ref[...], 0.0)
    x = jnp.maximum(
        jnp.dot(h, w2_ref[...], preferred_element_type=jnp.float32)
        + b2_ref[...], 0.0)
    x_out[...] = x
    xw_out[...] = jnp.dot(x, wg_ref[...], preferred_element_type=jnp.float32)


def _tc2_body(acc_ref, dinv_ref, xw_ref, x_ref, bg_ref, wgd_ref, bgd_ref,
              wp1a_ref, wp1b_ref, bp1_ref, wp2_ref, bp2_ref, wpi_ref, bpi_ref,
              out_ref):
    accs = acc_ref[0] + acc_ref[1]
    dinv = dinv_ref[...]
    g = dinv * (accs + dinv * xw_ref[...]) + bg_ref[...]
    xg = jnp.maximum(g, 0.0)
    xg = jnp.maximum(
        jnp.dot(xg, wgd_ref[...], preferred_element_type=jnp.float32)
        + bgd_ref[...], 0.0)
    p = jnp.maximum(
        jnp.dot(xg, wp1a_ref[...], preferred_element_type=jnp.float32)
        + jnp.dot(x_ref[...], wp1b_ref[...], preferred_element_type=jnp.float32)
        + bp1_ref[...], 0.0)
    p = jnp.maximum(
        jnp.dot(p, wp2_ref[...], preferred_element_type=jnp.float32)
        + bp2_ref[...], 0.0)
    pi = jnp.dot(p, wpi_ref[...], preferred_element_type=jnp.float32) + bpi_ref[...]
    out_ref[...] = jnp.tanh(pi)


def _full(shape):
    return pl.BlockSpec(shape, lambda i: tuple(0 for _ in shape))


def kernel(observation, edge_index, W1, b1, W2, b2, Wg, bg, Wgd, bgd,
           Wp1, bp1, Wp2, bp2, Wpi, bpi):
    obs_pad = jnp.pad(observation, ((0, NPAD - N), (0, 0)))
    ei3 = edge_index.reshape(2, EROWS, MCHUNK)
    lut = jnp.asarray(_RSQRT_LUT)

    x_enc, xw = pl.pallas_call(
        _tc1_body,
        grid=(NPAD // BLK,),
        in_specs=[
            pl.BlockSpec((BLK, FD), lambda i: (i, 0)),
            _full((FD, H)),
            _full((1, H)),
            _full((H, H)),
            _full((1, H)),
            _full((H, H)),
        ],
        out_specs=[pl.BlockSpec((BLK, H), lambda i: (i, 0))] * 2,
        out_shape=[jax.ShapeDtypeStruct((NPAD, H), jnp.float32)] * 2,
    )(obs_pad, W1, b1.reshape(1, H), W2, b2.reshape(1, H), Wg)

    acc, dinv = _sc_fused(ei3, xw, lut)

    out = pl.pallas_call(
        _tc2_body,
        grid=(NPAD // BLK,),
        in_specs=[
            pl.BlockSpec((2, BLK, H), lambda i: (0, i, 0)),
            pl.BlockSpec((BLK, 1), lambda i: (i, 0)),
            pl.BlockSpec((BLK, H), lambda i: (i, 0)),
            pl.BlockSpec((BLK, H), lambda i: (i, 0)),
            _full((1, H)),
            _full((H, H)),
            _full((1, H)),
            _full((H, H)),
            _full((H, H)),
            _full((1, H)),
            _full((H, H)),
            _full((1, H)),
            _full((H, A)),
            _full((1, A)),
        ],
        out_specs=pl.BlockSpec((BLK, A), lambda i: (i, 0)),
        out_shape=jax.ShapeDtypeStruct((NPAD, A), jnp.float32),
    )(acc, dinv.reshape(NPAD, 1), xw, x_enc, bg.reshape(1, H), Wgd,
      bgd.reshape(1, H), Wp1[:H], Wp1[H:], bp1.reshape(1, H), Wp2,
      bp2.reshape(1, H), Wpi, bpi.reshape(1, A))

    return out[:N]

# --- scband reference (transcript-rebuilt; emitter-appended) ---
"""Pipeline reference for scband-graph-actor-model-54305566491362 (READ-ONLY COPY).

The authoritative reference and input builder live on the scoring server;
editing this copy changes nothing except your own understanding.
"""

import jax, jax.numpy as jnp
import numpy as np

N = 10000
FD = 128
A = 2
E = 160000
H = 32
ACTION_MIN = -1.0
ACTION_MAX = 1.0


def _linear_params(key, fan_in, fan_out):
    k1, k2 = jax.random.split(key)
    bound = 1.0 / np.sqrt(fan_in)
    W = jax.random.uniform(k1, (fan_in, fan_out), minval=-bound, maxval=bound, dtype=jnp.float32)
    b = jax.random.uniform(k2, (fan_out,), minval=-bound, maxval=bound, dtype=jnp.float32)
    return W, b


def setup_inputs(seed: int = 0) -> dict:
    key = jax.random.key(seed)
    ks = jax.random.split(key, 10)
    observation = jax.random.normal(ks[0], (N, FD), dtype=jnp.float32)
    edge_index = jax.random.randint(ks[1], (2, E), 0, N, dtype=jnp.int32)
    W1, b1 = _linear_params(ks[2], FD, H)
    W2, b2 = _linear_params(ks[3], H, H)
    Wg, bg = _linear_params(ks[4], H, H)
    Wgd, bgd = _linear_params(ks[5], H, H)
    Wp1, bp1 = _linear_params(ks[6], 2 * H, H)
    Wp2, bp2 = _linear_params(ks[7], H, H)
    Wpi, bpi = _linear_params(ks[8], H, A)
    return {"observation": observation, "edge_index": edge_index,
            "W1": W1, "b1": b1, "W2": W2, "b2": b2,
            "Wg": Wg, "bg": bg, "Wgd": Wgd, "bgd": bgd,
            "Wp1": Wp1, "bp1": bp1, "Wp2": Wp2, "bp2": bp2,
            "Wpi": Wpi, "bpi": bpi}


def _gcn_conv(x, edge_index, Wg, bg):
    # GCNConv with self loops and symmetric normalization (torch_geometric semantics)
    n = x.shape[0]
    loop = jnp.arange(n, dtype=edge_index.dtype)
    src = jnp.concatenate([edge_index[0], loop])
    dst = jnp.concatenate([edge_index[1], loop])
    deg = jax.ops.segment_sum(jnp.ones(src.shape[0], dtype=jnp.float32), dst, num_segments=n)
    dinv = jnp.where(deg > 0, jax.lax.rsqrt(jnp.maximum(deg, 1e-12)), 0.0)
    norm = dinv[src] * dinv[dst]
    xw = x @ Wg
    msgs = jnp.take(xw, src, axis=0) * norm[:, None]
    out = jax.ops.segment_sum(msgs, dst, num_segments=n)
    return out + bg


def reference(observation, edge_index, W1, b1, W2, b2, Wg, bg, Wgd, bgd, Wp1, bp1, Wp2, bp2, Wpi, bpi):
    X_in = observation.reshape(N, -1)
    X = jax.nn.relu(X_in @ W1 + b1)
    X = jax.nn.relu(X @ W2 + b2)
    X_graph = _gcn_conv(X, edge_index, Wg, bg)
    X_graph = jax.nn.relu(X_graph)
    X_graph = jax.nn.relu(X_graph @ Wgd + bgd)
    F_concat = jnp.concatenate([X_graph, X], axis=1)
    X_policy = jax.nn.relu(F_concat @ Wp1 + bp1)
    X_policy = jax.nn.relu(X_policy @ Wp2 + bp2)
    pi = X_policy @ Wpi + bpi
    amplitude = 0.5 * (ACTION_MAX - ACTION_MIN)
    mean = 0.5 * (ACTION_MAX + ACTION_MIN)
    action = amplitude * jnp.tanh(pi) + mean
    return jnp.squeeze(action)

if __name__ == "__main__":
    import jax
    _d = setup_inputs()
    print(jax.jit(kernel)(*tuple(_d.values())))

</pallas_src>

<mosaic_0001>
#map = affine_map<(d0, d1) -> (0, 0, 0)>
#map1 = affine_map<(d0, d1) -> (0, 0)>
#map2 = affine_map<(d0, d1) -> (0)>
module attributes {stable_mosaic.version = 14 : i64} {
  func.func @_sc_body(%arg0: i32, %arg1: i32, %arg2: memref<2x160x1000xi32, #tpu.memory_space<hbm>>, %arg3: memref<10240x32xf32, #tpu.memory_space<hbm>>, %arg4: memref<160001xf32, #tpu.memory_space<hbm>>, %arg5: memref<2x10240x32xf32, #tpu.memory_space<hbm>>, %arg6: memref<10240xf32, #tpu.memory_space<hbm>>, %arg7: memref<10240x32xf32, #tpu.memory_space<vmem_shared>>, %arg8: memref<10240x32xf32, #tpu.memory_space<vmem_shared>>, %arg9: memref<10240xf32, #tpu.memory_space<vmem_shared>>, %arg10: memref<5x1000xi32, #tpu.memory_space<vmem>>, %arg11: memref<5x1000xi32, #tpu.memory_space<vmem>>, %arg12: memref<1000x32xf32, #tpu.memory_space<vmem>>, %arg13: memref<1000x32xf32, #tpu.memory_space<vmem>>, %arg14: memref<1024xf32, #tpu.memory_space<vmem>>, %arg15: memref<640xf32, #tpu.memory_space<vmem>>, %arg16: memref<640xi32, #tpu.memory_space<vmem>>, %arg17: memref<!tpu.dma_semaphore, #tpu.memory_space<semaphore_mem>>, %arg18: memref<!tpu.dma_semaphore, #tpu.memory_space<semaphore_mem>>) attributes {dimension_semantics = [#tpu.dimension_semantics<core_parallel>, #tpu.dimension_semantics<subcore_parallel>], iteration_bounds = array<i64: 2, 16>, scalar_prefetch = 0 : i64, scratch_operands = 12 : i64, tpu.core_type = #tpu.core_type<sc_vector_subcore>, window_params = [{transform_indices = #map}, {transform_indices = #map1}, {transform_indices = #map2}, {transform_indices = #map}, {transform_indices = #map2}]} {
    %mul3A = arith.constant 640 : i32
    %mul3A_0 = arith.muli %arg1, %mul3A : i32
    %mul3A_1 = arith.constant 10 : i32
    %mul3A_2 = arith.muli %arg1, %mul3A_1 : i32
    %dma_start3A = arith.constant 1 : i32
    %dma_start3A_3 = arith.constant 0 : i32
    %dma_start3A_4 = tpu.memref_slice %arg2[%dma_start3A, %mul3A_2, %dma_start3A_3] : memref<2x160x1000xi32, #tpu.memory_space<hbm>> -> memref<1x5x1000xi32, #tpu.memory_space<hbm>>
    %dma_start3A_5 = tpu.memref_squeeze %dma_start3A_4 : memref<1x5x1000xi32, #tpu.memory_space<hbm>> -> memref<5x1000xi32, #tpu.memory_space<hbm>>
    %dma_start3A_6 = arith.constant 0 : i32
    %dma_start3A_7 = tpu.memref_slice %arg2[%dma_start3A, %mul3A_2, %dma_start3A_6] : memref<2x160x1000xi32, #tpu.memory_space<hbm>> -> memref<1x5x1000xi32, #tpu.memory_space<hbm>>
    %dma_start3A_8 = tpu.memref_squeeze %dma_start3A_7 : memref<1x5x1000xi32, #tpu.memory_space<hbm>> -> memref<5x1000xi32, #tpu.memory_space<hbm>>
    tpu.enqueue_dma source(%dma_start3A_8 : memref<5x1000xi32, #tpu.memory_space<hbm>>) target(%arg10 : memref<5x1000xi32, #tpu.memory_space<vmem>>) target_semaphore(%arg17 : memref<!tpu.dma_semaphore, #tpu.memory_space<semaphore_mem>>)
    %mul3A_9 = arith.constant 10 : i32
    %mul3A_10 = arith.muli %arg1, %mul3A_9 : i32
    %add3A = arith.constant 5 : i32
    %add3A_11 = arith.addi %mul3A_10, %add3A : i32
    %dma_start3A_12 = arith.constant 1 : i32
    %dma_start3A_13 = arith.constant 0 : i32
    %dma_start3A_14 = tpu.memref_slice %arg2[%dma_start3A_12, %add3A_11, %dma_start3A_13] : memref<2x160x1000xi32, #tpu.memory_space<hbm>> -> memref<1x5x1000xi32, #tpu.memory_space<hbm>>
    %dma_start3A_15 = tpu.memref_squeeze %dma_start3A_14 : memref<1x5x1000xi32, #tpu.memory_space<hbm>> -> memref<5x1000xi32, #tpu.memory_space<hbm>>
    %dma_start3A_16 = arith.constant 0 : i32
    %dma_start3A_17 = tpu.memref_slice %arg2[%dma_start3A_12, %add3A_11, %dma_start3A_16] : memref<2x160x1000xi32, #tpu.memory_space<hbm>> -> memref<1x5x1000xi32, #tpu.memory_space<hbm>>
    %dma_start3A_18 = tpu.memref_squeeze %dma_start3A_17 : memref<1x5x1000xi32, #tpu.memory_space<hbm>> -> memref<5x1000xi32, #tpu.memory_space<hbm>>
    tpu.enqueue_dma source(%dma_start3A_18 : memref<5x1000xi32, #tpu.memory_space<hbm>>) target(%arg11 : memref<5x1000xi32, #tpu.memory_space<vmem>>) target_semaphore(%arg18 : memref<!tpu.dma_semaphore, #tpu.memory_space<semaphore_mem>>)
    %broadcast_in_dim3A = arith.constant 0.000000e+00 : f32
    %broadcast_in_dim3A_19 = vector.broadcast %broadcast_in_dim3A : f32 to vector<16xf32>
    %broadcast_in_dim3A_20 = arith.constant 1.000000e+00 : f32
    %broadcast_in_dim3A_21 = vector.broadcast %broadcast_in_dim3A_20 : f32 to vector<16xf32>
    %scan3A = arith.constant 0 : i32
    %scan3A_22 = arith.constant 64 : i32
    %scan3A_23 = arith.addi %scan3A, %scan3A_22 : i32
    %scan3A_24 = arith.constant 1 : i32
    scf.for %scan3A_335 = %scan3A to %scan3A_23 step %scan3A_24  : i32 {
      %mul3A_336 = arith.constant 1 : i32
      %mul3A_337 = arith.muli %scan3A_335, %mul3A_336 : i32
      %add3A_338 = arith.constant 0 : i32
      %add3A_339 = arith.addi %add3A_338, %mul3A_337 : i32
      %mul3A_340 = arith.constant 16 : i32
      %mul3A_341 = arith.muli %add3A_339, %mul3A_340 : i32
      %swap3A = arith.index_cast %mul3A_341 : i32 to index
      %swap3A_342 = tpu.vector_load %arg14[%swap3A] {strides = array<i32>} : memref<1024xf32, #tpu.memory_space<vmem>>, vector<16xf32>,
      tpu.vector_store %arg14[%swap3A], %broadcast_in_dim3A_21 {strides = array<i32>} : memref<1024xf32, #tpu.memory_space<vmem>>, vector<16xf32>,
    }
    %scan3A_25 = arith.constant 64 : i32
    %scan3A_26 = arith.constant 0 : i32
    %scan3A_27 = arith.constant 40 : i32
    %scan3A_28 = arith.addi %scan3A_26, %scan3A_27 : i32
    %scan3A_29 = arith.constant 1 : i32
    scf.for %scan3A_335 = %scan3A_26 to %scan3A_28 step %scan3A_29  : i32 {
      %mul3A_336 = arith.constant 1 : i32
      %mul3A_337 = arith.muli %scan3A_335, %mul3A_336 : i32
      %add3A_338 = arith.constant 0 : i32
      %add3A_339 = arith.addi %add3A_338, %mul3A_337 : i32
      %mul3A_340 = arith.constant 16 : i32
      %mul3A_341 = arith.muli %add3A_339, %mul3A_340 : i32
      %swap3A = arith.index_cast %mul3A_341 : i32 to index
      %swap3A_342 = tpu.vector_load %arg15[%swap3A] {strides = array<i32>} : memref<640xf32, #tpu.memory_space<vmem>>, vector<16xf32>,
      tpu.vector_store %arg15[%swap3A], %broadcast_in_dim3A_19 {strides = array<i32>} : memref<640xf32, #tpu.memory_space<vmem>>, vector<16xf32>,
    }
    %scan3A_30 = arith.constant 40 : i32
    %scan3A_31 = arith.constant 0 : i32
    %scan3A_32 = arith.constant 640 : i32
    %scan3A_33 = arith.addi %scan3A_31, %scan3A_32 : i32
    %scan3A_34 = arith.constant 1 : i32
    scf.for %scan3A_335 = %scan3A_31 to %scan3A_33 step %scan3A_34  : i32 {
      %mul3A_336 = arith.constant 1 : i32
      %mul3A_337 = arith.muli %scan3A_335, %mul3A_336 : i32
      %add3A_338 = arith.constant 0 : i32
      %add3A_339 = arith.addi %add3A_338, %mul3A_337 : i32
      %swap3A = arith.index_cast %add3A_339 : i32 to index
      %swap3A_340 = arith.constant 0 : index
      %swap3A_341 = tpu.vector_load %arg12[%swap3A, %swap3A_340] {strides = array<i32>} : memref<1000x32xf32, #tpu.memory_space<vmem>>, vector<16xf32>,
      tpu.vector_store %arg12[%swap3A, %swap3A_340], %broadcast_in_dim3A_19 {strides = array<i32>} : memref<1000x32xf32, #tpu.memory_space<vmem>>, vector<16xf32>,
      %swap3A_342 = arith.index_cast %add3A_339 : i32 to index
      %swap3A_343 = arith.constant 16 : index
      %swap3A_344 = tpu.vector_load %arg12[%swap3A_342, %swap3A_343] {strides = array<i32>} : memref<1000x32xf32, #tpu.memory_space<vmem>>, vector<16xf32>,
      tpu.vector_store %arg12[%swap3A_342, %swap3A_343], %broadcast_in_dim3A_19 {strides = array<i32>} : memref<1000x32xf32, #tpu.memory_space<vmem>>, vector<16xf32>,
    }
    %scan3A_35 = arith.constant 640 : i32
    "tpu.region"() ({
      %run_scoped3A_335 = tpu.sem_alloc : memref<!tpu.dma_semaphore, #tpu.memory_space<semaphore_mem>>
      %dma_start3A_336 = tpu.memref_slice %arg9[%mul3A_0] : memref<10240xf32, #tpu.memory_space<vmem_shared>> -> memref<640xf32, #tpu.memory_space<vmem_shared>>
      %dma_start3A_337 = tpu.memref_slice %arg9[%mul3A_0] : memref<10240xf32, #tpu.memory_space<vmem_shared>> -> memref<640xf32, #tpu.memory_space<vmem_shared>>
      tpu.enqueue_dma source(%arg15 : memref<640xf32, #tpu.memory_space<vmem>>) target(%dma_start3A_337 : memref<640xf32, #tpu.memory_space<vmem_shared>>) target_semaphore(%run_scoped3A_335 : memref<!tpu.dma_semaphore, #tpu.memory_space<semaphore_mem>>)
      %dma_wait3A_338 = tpu.memref_slice %arg9[%mul3A_0] : memref<10240xf32, #tpu.memory_space<vmem_shared>> -> memref<640xf32, #tpu.memory_space<vmem_shared>>
      %dma_wait3A_339 = tpu.memref_slice %arg9[%mul3A_0] : memref<10240xf32, #tpu.memory_space<vmem_shared>> -> memref<640xf32, #tpu.memory_space<vmem_shared>>
      tpu.wait_dma2 semaphore(%run_scoped3A_335 : memref<!tpu.dma_semaphore, #tpu.memory_space<semaphore_mem>>) src(%arg15 : memref<640xf32, #tpu.memory_space<vmem>>) dst(%dma_wait3A_339 : memref<640xf32, #tpu.memory_space<vmem_shared>>)
      tpu.yield
    }) : () -> ()
    "tpu.region"() ({
      %run_scoped3A_335 = tpu.sem_alloc : memref<!tpu.dma_semaphore, #tpu.memory_space<semaphore_mem>>
      %dma_start3A_336 = arith.constant 0 : i32
      %dma_start3A_337 = arith.constant 0 : i32
      %dma_start3A_338 = tpu.memref_slice %arg12[%dma_start3A_336, %dma_start3A_337] : memref<1000x32xf32, #tpu.memory_space<vmem>> -> memref<640x32xf32, #tpu.memory_space<vmem>>
      %dma_start3A_339 = arith.constant 0 : i32
      %dma_start3A_340 = tpu.memref_slice %arg8[%mul3A_0, %dma_start3A_339] : memref<10240x32xf32, #tpu.memory_space<vmem_shared>> -> memref<640x32xf32, #tpu.memory_space<vmem_shared>>
      %dma_start3A_341 = arith.constant 0 : i32
      %dma_start3A_342 = tpu.memref_slice %arg8[%mul3A_0, %dma_start3A_341] : memref<10240x32xf32, #tpu.memory_space<vmem_shared>> -> memref<640x32xf32, #tpu.memory_space<vmem_shared>>
      %dma_start3A_343 = arith.constant 0 : i32
      %dma_start3A_344 = arith.constant 0 : i32
      %dma_start3A_345 = tpu.memref_slice %arg12[%dma_start3A_343, %dma_start3A_344] : memref<1000x32xf32, #tpu.memory_space<vmem>> -> memref<640x32xf32, #tpu.memory_space<vmem>>
      tpu.enqueue_dma source(%dma_start3A_345 : memref<640x32xf32, #tpu.memory_space<vmem>>) target(%dma_start3A_342 : memref<640x32xf32, #tpu.memory_space<vmem_shared>>) target_semaphore(%run_scoped3A_335 : memref<!tpu.dma_semaphore, #tpu.memory_space<semaphore_mem>>)
      %dma_wait3A_346 = arith.constant 0 : i32
      %dma_wait3A_347 = arith.constant 0 : i32
      %dma_wait3A_348 = tpu.memref_slice %arg12[%dma_wait3A_346, %dma_wait3A_347] : memref<1000x32xf32, #tpu.memory_space<vmem>> -> memref<640x32xf32, #tpu.memory_space<vmem>>
      %dma_wait3A_349 = arith.constant 0 : i32
      %dma_wait3A_350 = tpu.memref_slice %arg8[%mul3A_0, %dma_wait3A_349] : memref<10240x32xf32, #tpu.memory_space<vmem_shared>> -> memref<640x32xf32, #tpu.memory_space<vmem_shared>>
      %dma_wait3A_351 = arith.constant 0 : i32
      %dma_wait3A_352 = tpu.memref_slice %arg8[%mul3A_0, %dma_wait3A_351] : memref<10240x32xf32, #tpu.memory_space<vmem_shared>> -> memref<640x32xf32, #tpu.memory_space<vmem_shared>>
      %dma_wait3A_353 = arith.constant 0 : i32
      %dma_wait3A_354 = arith.constant 0 : i32
      %dma_wait3A_355 = tpu.memref_slice %arg12[%dma_wait3A_353, %dma_wait3A_354] : memref<1000x32xf32, #tpu.memory_space<vmem>> -> memref<640x32xf32, #tpu.memory_space<vmem>>
      tpu.wait_dma2 semaphore(%run_scoped3A_335 : memref<!tpu.dma_semaphore, #tpu.memory_space<semaphore_mem>>) src(%dma_wait3A_355 : memref<640x32xf32, #tpu.memory_space<vmem>>) dst(%dma_wait3A_352 : memref<640x32xf32, #tpu.memory_space<vmem_shared>>)
      tpu.yield
    }) : () -> ()
    %dma_wait3A = arith.constant 1 : i32
    %dma_wait3A_36 = arith.constant 0 : i32
    %dma_wait3A_37 = tpu.memref_slice %arg2[%dma_wait3A, %mul3A_2, %dma_wait3A_36] : memref<2x160x1000xi32, #tpu.memory_space<hbm>> -> memref<1x5x1000xi32, #tpu.memory_space<hbm>>
    %dma_wait3A_38 = tpu.memref_squeeze %dma_wait3A_37 : memref<1x5x1000xi32, #tpu.memory_space<hbm>> -> memref<5x1000xi32, #tpu.memory_space<hbm>>
    %dma_wait3A_39 = arith.constant 0 : i32
    %dma_wait3A_40 = tpu.memref_slice %arg2[%dma_wait3A, %mul3A_2, %dma_wait3A_39] : memref<2x160x1000xi32, #tpu.memory_space<hbm>> -> memref<1x5x1000xi32, #tpu.memory_space<hbm>>
    %dma_wait3A_41 = tpu.memref_squeeze %dma_wait3A_40 : memref<1x5x1000xi32, #tpu.memory_space<hbm>> -> memref<5x1000xi32, #tpu.memory_space<hbm>>
    tpu.wait_dma2 semaphore(%arg17 : memref<!tpu.dma_semaphore, #tpu.memory_space<semaphore_mem>>) src(%dma_wait3A_41 : memref<5x1000xi32, #tpu.memory_space<hbm>>) dst(%arg10 : memref<5x1000xi32, #tpu.memory_space<vmem>>)
    %dma_wait3A_42 = arith.constant 1 : i32
    %dma_wait3A_43 = arith.constant 0 : i32
    %dma_wait3A_44 = tpu.memref_slice %arg2[%dma_wait3A_42, %add3A_11, %dma_wait3A_43] : memref<2x160x1000xi32, #tpu.memory_space<hbm>> -> memref<1x5x1000xi32, #tpu.memory_space<hbm>>
    %dma_wait3A_45 = tpu.memref_squeeze %dma_wait3A_44 : memref<1x5x1000xi32, #tpu.memory_space<hbm>> -> memref<5x1000xi32, #tpu.memory_space<hbm>>
    %dma_wait3A_46 = arith.constant 0 : i32
    %dma_wait3A_47 = tpu.memref_slice %arg2[%dma_wait3A_42, %add3A_11, %dma_wait3A_46] : memref<2x160x1000xi32, #tpu.memory_space<hbm>> -> memref<1x5x1000xi32, #tpu.memory_space<hbm>>
    %dma_wait3A_48 = tpu.memref_squeeze %dma_wait3A_47 : memref<1x5x1000xi32, #tpu.memory_space<hbm>> -> memref<5x1000xi32, #tpu.memory_space<hbm>>
    tpu.wait_dma2 semaphore(%arg18 : memref<!tpu.dma_semaphore, #tpu.memory_space<semaphore_mem>>) src(%dma_wait3A_48 : memref<5x1000xi32, #tpu.memory_space<hbm>>) dst(%arg11 : memref<5x1000xi32, #tpu.memory_space<vmem>>)
    %barrier3A = arith.constant 0 : index
    tpu.barrier barrier_id(%barrier3A)
    %dma_start3A_49 = arith.constant 0 : i32
    %dma_start3A_50 = arith.constant 0 : i32
    %dma_start3A_51 = tpu.memref_slice %arg14[%dma_start3A_50] : memref<1024xf32, #tpu.memory_space<vmem>> -> memref<1000xf32, #tpu.memory_space<vmem>>
    %dma_start3A_52 = arith.constant 0 : i32
    %dma_start3A_53 = tpu.memref_slice %arg10[%dma_start3A_49, %dma_start3A_52] : memref<5x1000xi32, #tpu.memory_space<vmem>> -> memref<1x1000xi32, #tpu.memory_space<vmem>>
    %dma_start3A_54 = tpu.memref_squeeze %dma_start3A_53 : memref<1x1000xi32, #tpu.memory_space<vmem>> -> memref<1000xi32, #tpu.memory_space<vmem>>
    %dma_start3A_55 = arith.constant 0 : i32
    %dma_start3A_56 = tpu.memref_slice %arg9[%dma_start3A_55] : memref<10240xf32, #tpu.memory_space<vmem_shared>> -> memref<10240xf32, #tpu.memory_space<vmem_shared>>
    tpu.enqueue_indirect_dma source(%dma_start3A_51 : memref<1000xf32, #tpu.memory_space<vmem>>) target(%dma_start3A_56 : memref<10240xf32, #tpu.memory_space<vmem_shared>>) offsets(%dma_start3A_54 : memref<1000xi32, #tpu.memory_space<vmem>>) semaphore(%arg17 : memref<!tpu.dma_semaphore, #tpu.memory_space<semaphore_mem>>) {add = true}
    %dma_start3A_57 = arith.constant 1 : i32
    %dma_start3A_58 = arith.constant 0 : i32
    %dma_start3A_59 = tpu.memref_slice %arg14[%dma_start3A_58] : memref<1024xf32, #tpu.memory_space<vmem>> -> memref<1000xf32, #tpu.memory_space<vmem>>
    %dma_start3A_60 = arith.constant 0 : i32
    %dma_start3A_61 = tpu.memref_slice %arg10[%dma_start3A_57, %dma_start3A_60] : memref<5x1000xi32, #tpu.memory_space<vmem>> -> memref<1x1000xi32, #tpu.memory_space<vmem>>
    %dma_start3A_62 = tpu.memref_squeeze %dma_start3A_61 : memref<1x1000xi32, #tpu.memory_space<vmem>> -> memref<1000xi32, #tpu.memory_space<vmem>>
    %dma_start3A_63 = arith.constant 0 : i32
    %dma_start3A_64 = tpu.memref_slice %arg9[%dma_start3A_63] : memref<10240xf32, #tpu.memory_space<vmem_shared>> -> memref<10240xf32, #tpu.memory_space<vmem_shared>>
    tpu.enqueue_indirect_dma source(%dma_start3A_59 : memref<1000xf32, #tpu.memory_space<vmem>>) target(%dma_start3A_64 : memref<10240xf32, #tpu.memory_space<vmem_shared>>) offsets(%dma_start3A_62 : memref<1000xi32, #tpu.memory_space<vmem>>) semaphore(%arg17 : memref<!tpu.dma_semaphore, #tpu.memory_space<semaphore_mem>>) {add = true}
    %dma_start3A_65 = arith.constant 2 : i32
    %dma_start3A_66 = arith.constant 0 : i32
    %dma_start3A_67 = tpu.memref_slice %arg14[%dma_start3A_66] : memref<1024xf32, #tpu.memory_space<vmem>> -> memref<1000xf32, #tpu.memory_space<vmem>>
    %dma_start3A_68 = arith.constant 0 : i32
    %dma_start3A_69 = tpu.memref_slice %arg10[%dma_start3A_65, %dma_start3A_68] : memref<5x1000xi32, #tpu.memory_space<vmem>> -> memref<1x1000xi32, #tpu.memory_space<vmem>>
    %dma_start3A_70 = tpu.memref_squeeze %dma_start3A_69 : memref<1x1000xi32, #tpu.memory_space<vmem>> -> memref<1000xi32, #tpu.memory_space<vmem>>
    %dma_start3A_71 = arith.constant 0 : i32
    %dma_start3A_72 = tpu.memref_slice %arg9[%dma_start3A_71] : memref<10240xf32, #tpu.memory_space<vmem_shared>> -> memref<10240xf32, #tpu.memory_space<vmem_shared>>
    tpu.enqueue_indirect_dma source(%dma_start3A_67 : memref<1000xf32, #tpu.memory_space<vmem>>) target(%dma_start3A_72 : memref<10240xf32, #tpu.memory_space<vmem_shared>>) offsets(%dma_start3A_70 : memref<1000xi32, #tpu.memory_space<vmem>>) semaphore(%arg17 : memref<!tpu.dma_semaphore, #tpu.memory_space<semaphore_mem>>) {add = true}
    %dma_start3A_73 = arith.constant 3 : i32
    %dma_start3A_74 = arith.constant 0 : i32
    %dma_start3A_75 = tpu.memref_slice %arg14[%dma_start3A_74] : memref<1024xf32, #tpu.memory_space<vmem>> -> memref<1000xf32, #tpu.memory_space<vmem>>
    %dma_start3A_76 = arith.constant 0 : i32
    %dma_start3A_77 = tpu.memref_slice %arg10[%dma_start3A_73, %dma_start3A_76] : memref<5x1000xi32, #tpu.memory_space<vmem>> -> memref<1x1000xi32, #tpu.memory_space<vmem>>
    %dma_start3A_78 = tpu.memref_squeeze %dma_start3A_77 : memref<1x1000xi32, #tpu.memory_space<vmem>> -> memref<1000xi32, #tpu.memory_space<vmem>>
    %dma_start3A_79 = arith.constant 0 : i32
    %dma_start3A_80 = tpu.memref_slice %arg9[%dma_start3A_79] : memref<10240xf32, #tpu.memory_space<vmem_shared>> -> memref<10240xf32, #tpu.memory_space<vmem_shared>>
    tpu.enqueue_indirect_dma source(%dma_start3A_75 : memref<1000xf32, #tpu.memory_space<vmem>>) target(%dma_start3A_80 : memref<10240xf32, #tpu.memory_space<vmem_shared>>) offsets(%dma_start3A_78 : memref<1000xi32, #tpu.memory_space<vmem>>) semaphore(%arg17 : memref<!tpu.dma_semaphore, #tpu.memory_space<semaphore_mem>>) {add = true}
    %dma_start3A_81 = arith.constant 4 : i32
    %dma_start3A_82 = arith.constant 0 : i32
    %dma_start3A_83 = tpu.memref_slice %arg14[%dma_start3A_82] : memref<1024xf32, #tpu.memory_space<vmem>> -> memref<1000xf32, #tpu.memory_space<vmem>>
    %dma_start3A_84 = arith.constant 0 : i32
    %dma_start3A_85 = tpu.memref_slice %arg10[%dma_start3A_81, %dma_start3A_84] : memref<5x1000xi32, #tpu.memory_space<vmem>> -> memref<1x1000xi32, #tpu.memory_space<vmem>>
    %dma_start3A_86 = tpu.memref_squeeze %dma_start3A_85 : memref<1x1000xi32, #tpu.memory_space<vmem>> -> memref<1000xi32, #tpu.memory_space<vmem>>
    %dma_start3A_87 = arith.constant 0 : i32
    %dma_start3A_88 = tpu.memref_slice %arg9[%dma_start3A_87] : memref<10240xf32, #tpu.memory_space<vmem_shared>> -> memref<10240xf32, #tpu.memory_space<vmem_shared>>
    tpu.enqueue_indirect_dma source(%dma_start3A_83 : memref<1000xf32, #tpu.memory_space<vmem>>) target(%dma_start3A_88 : memref<10240xf32, #tpu.memory_space<vmem_shared>>) offsets(%dma_start3A_86 : memref<1000xi32, #tpu.memory_space<vmem>>) semaphore(%arg17 : memref<!tpu.dma_semaphore, #tpu.memory_space<semaphore_mem>>) {add = true}
    %dma_start3A_89 = arith.constant 0 : i32
    %dma_start3A_90 = arith.constant 0 : i32
    %dma_start3A_91 = tpu.memref_slice %arg14[%dma_start3A_90] : memref<1024xf32, #tpu.memory_space<vmem>> -> memref<1000xf32, #tpu.memory_space<vmem>>
    %dma_start3A_92 = arith.constant 0 : i32
    %dma_start3A_93 = tpu.memref_slice %arg11[%dma_start3A_89, %dma_start3A_92] : memref<5x1000xi32, #tpu.memory_space<vmem>> -> memref<1x1000xi32, #tpu.memory_space<vmem>>
    %dma_start3A_94 = tpu.memref_squeeze %dma_start3A_93 : memref<1x1000xi32, #tpu.memory_space<vmem>> -> memref<1000xi32, #tpu.memory_space<vmem>>
    %dma_start3A_95 = arith.constant 0 : i32
    %dma_start3A_96 = tpu.memref_slice %arg9[%dma_start3A_95] : memref<10240xf32, #tpu.memory_space<vmem_shared>> -> memref<10240xf32, #tpu.memory_space<vmem_shared>>
    tpu.enqueue_indirect_dma source(%dma_start3A_91 : memref<1000xf32, #tpu.memory_space<vmem>>) target(%dma_start3A_96 : memref<10240xf32, #tpu.memory_space<vmem_shared>>) offsets(%dma_start3A_94 : memref<1000xi32, #tpu.memory_space<vmem>>) semaphore(%arg18 : memref<!tpu.dma_semaphore, #tpu.memory_space<semaphore_mem>>) {add = true}
    %dma_start3A_97 = arith.constant 1 : i32
    %dma_start3A_98 = arith.constant 0 : i32
    %dma_start3A_99 = tpu.memref_slice %arg14[%dma_start3A_98] : memref<1024xf32, #tpu.memory_space<vmem>> -> memref<1000xf32, #tpu.memory_space<vmem>>
    %dma_start3A_100 = arith.constant 0 : i32
    %dma_start3A_101 = tpu.memref_slice %arg11[%dma_start3A_97, %dma_start3A_100] : memref<5x1000xi32, #tpu.memory_space<vmem>> -> memref<1x1000xi32, #tpu.memory_space<vmem>>
    %dma_start3A_102 = tpu.memref_squeeze %dma_start3A_101 : memref<1x1000xi32, #tpu.memory_space<vmem>> -> memref<1000xi32, #tpu.memory_space<vmem>>
    %dma_start3A_103 = arith.constant 0 : i32
    %dma_start3A_104 = tpu.memref_slice %arg9[%dma_start3A_103] : memref<10240xf32, #tpu.memory_space<vmem_shared>> -> memref<10240xf32, #tpu.memory_space<vmem_shared>>
    tpu.enqueue_indirect_dma source(%dma_start3A_99 : memref<1000xf32, #tpu.memory_space<vmem>>) target(%dma_start3A_104 : memref<10240xf32, #tpu.memory_space<vmem_shared>>) offsets(%dma_start3A_102 : memref<1000xi32, #tpu.memory_space<vmem>>) semaphore(%arg18 : memref<!tpu.dma_semaphore, #tpu.memory_space<semaphore_mem>>) {add = true}
    %dma_start3A_105 = arith.constant 2 : i32
    %dma_start3A_106 = arith.constant 0 : i32
    %dma_start3A_107 = tpu.memref_slice %arg14[%dma_start3A_106] : memref<1024xf32, #tpu.memory_space<vmem>> -> memref<1000xf32, #tpu.memory_space<vmem>>
    %dma_start3A_108 = arith.constant 0 : i32
    %dma_start3A_109 = tpu.memref_slice %arg11[%dma_start3A_105, %dma_start3A_108] : memref<5x1000xi32, #tpu.memory_space<vmem>> -> memref<1x1000xi32, #tpu.memory_space<vmem>>
    %dma_start3A_110 = tpu.memref_squeeze %dma_start3A_109 : memref<1x1000xi32, #tpu.memory_space<vmem>> -> memref<1000xi32, #tpu.memory_space<vmem>>
    %dma_start3A_111 = arith.constant 0 : i32
    %dma_start3A_112 = tpu.memref_slice %arg9[%dma_start3A_111] : memref<10240xf32, #tpu.memory_space<vmem_shared>> -> memref<10240xf32, #tpu.memory_space<vmem_shared>>
    tpu.enqueue_indirect_dma source(%dma_start3A_107 : memref<1000xf32, #tpu.memory_space<vmem>>) target(%dma_start3A_112 : memref<10240xf32, #tpu.memory_space<vmem_shared>>) offsets(%dma_start3A_110 : memref<1000xi32, #tpu.memory_space<vmem>>) semaphore(%arg18 : memref<!tpu.dma_semaphore, #tpu.memory_space<semaphore_mem>>) {add = true}
    %dma_start3A_113 = arith.constant 3 : i32
    %dma_start3A_114 = arith.constant 0 : i32
    %dma_start3A_115 = tpu.memref_slice %arg14[%dma_start3A_114] : memref<1024xf32, #tpu.memory_space<vmem>> -> memref<1000xf32, #tpu.memory_space<vmem>>
    %dma_start3A_116 = arith.constant 0 : i32
    %dma_start3A_117 = tpu.memref_slice %arg11[%dma_start3A_113, %dma_start3A_116] : memref<5x1000xi32, #tpu.memory_space<vmem>> -> memref<1x1000xi32, #tpu.memory_space<vmem>>
    %dma_start3A_118 = tpu.memref_squeeze %dma_start3A_117 : memref<1x1000xi32, #tpu.memory_space<vmem>> -> memref<1000xi32, #tpu.memory_space<vmem>>
    %dma_start3A_119 = arith.constant 0 : i32
    %dma_start3A_120 = tpu.memref_slice %arg9[%dma_start3A_119] : memref<10240xf32, #tpu.memory_space<vmem_shared>> -> memref<10240xf32, #tpu.memory_space<vmem_shared>>
    tpu.enqueue_indirect_dma source(%dma_start3A_115 : memref<1000xf32, #tpu.memory_space<vmem>>) target(%dma_start3A_120 : memref<10240xf32, #tpu.memory_space<vmem_shared>>) offsets(%dma_start3A_118 : memref<1000xi32, #tpu.memory_space<vmem>>) semaphore(%arg18 : memref<!tpu.dma_semaphore, #tpu.memory_space<semaphore_mem>>) {add = true}
    %dma_start3A_121 = arith.constant 4 : i32
    %dma_start3A_122 = arith.constant 0 : i32
    %dma_start3A_123 = tpu.memref_slice %arg14[%dma_start3A_122] : memref<1024xf32, #tpu.memory_space<vmem>> -> memref<1000xf32, #tpu.memory_space<vmem>>
    %dma_start3A_124 = arith.constant 0 : i32
    %dma_start3A_125 = tpu.memref_slice %arg11[%dma_start3A_121, %dma_start3A_124] : memref<5x1000xi32, #tpu.memory_space<vmem>> -> memref<1x1000xi32, #tpu.memory_space<vmem>>
    %dma_start3A_126 = tpu.memref_squeeze %dma_start3A_125 : memref<1x1000xi32, #tpu.memory_space<vmem>> -> memref<1000xi32, #tpu.memory_space<vmem>>
    %dma_start3A_127 = arith.constant 0 : i32
    %dma_start3A_128 = tpu.memref_slice %arg9[%dma_start3A_127] : memref<10240xf32, #tpu.memory_space<vmem_shared>> -> memref<10240xf32, #tpu.memory_space<vmem_shared>>
    tpu.enqueue_indirect_dma source(%dma_start3A_123 : memref<1000xf32, #tpu.memory_space<vmem>>) target(%dma_start3A_128 : memref<10240xf32, #tpu.memory_space<vmem_shared>>) offsets(%dma_start3A_126 : memref<1000xi32, #tpu.memory_space<vmem>>) semaphore(%arg18 : memref<!tpu.dma_semaphore, #tpu.memory_space<semaphore_mem>>) {add = true}
    "tpu.region"() ({
      %run_scoped3A_335 = tpu.sem_alloc : memref<!tpu.dma_semaphore, #tpu.memory_space<semaphore_mem>>
      %dma_start3A_336 = arith.constant 0 : i32
      %dma_start3A_337 = arith.constant 0 : i32
      %dma_start3A_338 = tpu.memref_slice %arg13[%dma_start3A_336, %dma_start3A_337] : memref<1000x32xf32, #tpu.memory_space<vmem>> -> memref<640x32xf32, #tpu.memory_space<vmem>>
      %dma_start3A_339 = arith.constant 0 : i32
      %dma_start3A_340 = tpu.memref_slice %arg3[%mul3A_0, %dma_start3A_339] : memref<10240x32xf32, #tpu.memory_space<hbm>> -> memref<640x32xf32, #tpu.memory_space<hbm>>
      %dma_start3A_341 = arith.constant 0 : i32
      %dma_start3A_342 = arith.constant 0 : i32
      %dma_start3A_343 = tpu.memref_slice %arg13[%dma_start3A_341, %dma_start3A_342] : memref<1000x32xf32, #tpu.memory_space<vmem>> -> memref<640x32xf32, #tpu.memory_space<vmem>>
      %dma_start3A_344 = arith.constant 0 : i32
      %dma_start3A_345 = tpu.memref_slice %arg3[%mul3A_0, %dma_start3A_344] : memref<10240x32xf32, #tpu.memory_space<hbm>> -> memref<640x32xf32, #tpu.memory_space<hbm>>
      tpu.enqueue_dma source(%dma_start3A_345 : memref<640x32xf32, #tpu.memory_space<hbm>>) target(%dma_start3A_343 : memref<640x32xf32, #tpu.memory_space<vmem>>) target_semaphore(%run_scoped3A_335 : memref<!tpu.dma_semaphore, #tpu.memory_space<semaphore_mem>>)
      %dma_wait3A_346 = arith.constant 0 : i32
      %dma_wait3A_347 = arith.constant 0 : i32
      %dma_wait3A_348 = tpu.memref_slice %arg13[%dma_wait3A_346, %dma_wait3A_347] : memref<1000x32xf32, #tpu.memory_space<vmem>> -> memref<640x32xf32, #tpu.memory_space<vmem>>
      %dma_wait3A_349 = arith.constant 0 : i32
      %dma_wait3A_350 = tpu.memref_slice %arg3[%mul3A_0, %dma_wait3A_349] : memref<10240x32xf32, #tpu.memory_space<hbm>> -> memref<640x32xf32, #tpu.memory_space<hbm>>
      %dma_wait3A_351 = arith.constant 0 : i32
      %dma_wait3A_352 = arith.constant 0 : i32
      %dma_wait3A_353 = tpu.memref_slice %arg13[%dma_wait3A_351, %dma_wait3A_352] : memref<1000x32xf32, #tpu.memory_space<vmem>> -> memref<640x32xf32, #tpu.memory_space<vmem>>
      %dma_wait3A_354 = arith.constant 0 : i32
      %dma_wait3A_355 = tpu.memref_slice %arg3[%mul3A_0, %dma_wait3A_354] : memref<10240x32xf32, #tpu.memory_space<hbm>> -> memref<640x32xf32, #tpu.memory_space<hbm>>
      tpu.wait_dma2 semaphore(%run_scoped3A_335 : memref<!tpu.dma_semaphore, #tpu.memory_space<semaphore_mem>>) src(%dma_wait3A_355 : memref<640x32xf32, #tpu.memory_space<hbm>>) dst(%dma_wait3A_353 : memref<640x32xf32, #tpu.memory_space<vmem>>)
      tpu.yield
    }) : () -> ()
    %dma_wait3A_129 = arith.constant 0 : i32
    %dma_wait3A_130 = arith.constant 0 : i32
    %dma_wait3A_131 = tpu.memref_slice %arg14[%dma_wait3A_130] : memref<1024xf32, #tpu.memory_space<vmem>> -> memref<1000xf32, #tpu.memory_space<vmem>>
    %dma_wait3A_132 = arith.constant 0 : i32
    %dma_wait3A_133 = tpu.memref_slice %arg10[%dma_wait3A_129, %dma_wait3A_132] : memref<5x1000xi32, #tpu.memory_space<vmem>> -> memref<1x1000xi32, #tpu.memory_space<vmem>>
    %dma_wait3A_134 = tpu.memref_squeeze %dma_wait3A_133 : memref<1x1000xi32, #tpu.memory_space<vmem>> -> memref<1000xi32, #tpu.memory_space<vmem>>
    %dma_wait3A_135 = arith.constant 0 : i32
    %dma_wait3A_136 = tpu.memref_slice %arg9[%dma_wait3A_135] : memref<10240xf32, #tpu.memory_space<vmem_shared>> -> memref<10240xf32, #tpu.memory_space<vmem_shared>>
    tpu.wait_indirect_dma semaphore(%arg17 : memref<!tpu.dma_semaphore, #tpu.memory_space<semaphore_mem>>) src(%dma_wait3A_131 : memref<1000xf32, #tpu.memory_space<vmem>>) dst(%dma_wait3A_136 : memref<10240xf32, #tpu.memory_space<vmem_shared>>)
    %dma_wait3A_137 = arith.constant 1 : i32
    %dma_wait3A_138 = arith.constant 0 : i32
    %dma_wait3A_139 = tpu.memref_slice %arg14[%dma_wait3A_138] : memref<1024xf32, #tpu.memory_space<vmem>> -> memref<1000xf32, #tpu.memory_space<vmem>>
    %dma_wait3A_140 = arith.constant 0 : i32
    %dma_wait3A_141 = tpu.memref_slice %arg10[%dma_wait3A_137, %dma_wait3A_140] : memref<5x1000xi32, #tpu.memory_space<vmem>> -> memref<1x1000xi32, #tpu.memory_space<vmem>>
    %dma_wait3A_142 = tpu.memref_squeeze %dma_wait3A_141 : memref<1x1000xi32, #tpu.memory_space<vmem>> -> memref<1000xi32, #tpu.memory_space<vmem>>
    %dma_wait3A_143 = arith.constant 0 : i32
    %dma_wait3A_144 = tpu.memref_slice %arg9[%dma_wait3A_143] : memref<10240xf32, #tpu.memory_space<vmem_shared>> -> memref<10240xf32, #tpu.memory_space<vmem_shared>>
    tpu.wait_indirect_dma semaphore(%arg17 : memref<!tpu.dma_semaphore, #tpu.memory_space<semaphore_mem>>) src(%dma_wait3A_139 : memref<1000xf32, #tpu.memory_space<vmem>>) dst(%dma_wait3A_144 : memref<10240xf32, #tpu.memory_space<vmem_shared>>)
    %dma_wait3A_145 = arith.constant 2 : i32
    %dma_wait3A_146 = arith.constant 0 : i32
    %dma_wait3A_147 = tpu.memref_slice %arg14[%dma_wait3A_146] : memref<1024xf32, #tpu.memory_space<vmem>> -> memref<1000xf32, #tpu.memory_space<vmem>>
    %dma_wait3A_148 = arith.constant 0 : i32
    %dma_wait3A_149 = tpu.memref_slice %arg10[%dma_wait3A_145, %dma_wait3A_148] : memref<5x1000xi32, #tpu.memory_space<vmem>> -> memref<1x1000xi32, #tpu.memory_space<vmem>>
    %dma_wait3A_150 = tpu.memref_squeeze %dma_wait3A_149 : memref<1x1000xi32, #tpu.memory_space<vmem>> -> memref<1000xi32, #tpu.memory_space<vmem>>
    %dma_wait3A_151 = arith.constant 0 : i32
    %dma_wait3A_152 = tpu.memref_slice %arg9[%dma_wait3A_151] : memref<10240xf32, #tpu.memory_space<vmem_shared>> -> memref<10240xf32, #tpu.memory_space<vmem_shared>>
    tpu.wait_indirect_dma semaphore(%arg17 : memref<!tpu.dma_semaphore, #tpu.memory_space<semaphore_mem>>) src(%dma_wait3A_147 : memref<1000xf32, #tpu.memory_space<vmem>>) dst(%dma_wait3A_152 : memref<10240xf32, #tpu.memory_space<vmem_shared>>)
    %dma_wait3A_153 = arith.constant 3 : i32
    %dma_wait3A_154 = arith.constant 0 : i32
    %dma_wait3A_155 = tpu.memref_slice %arg14[%dma_wait3A_154] : memref<1024xf32, #tpu.memory_space<vmem>> -> memref<1000xf32, #tpu.memory_space<vmem>>
    %dma_wait3A_156 = arith.constant 0 : i32
    %dma_wait3A_157 = tpu.memref_slice %arg10[%dma_wait3A_153, %dma_wait3A_156] : memref<5x1000xi32, #tpu.memory_space<vmem>> -> memref<1x1000xi32, #tpu.memory_space<vmem>>
    %dma_wait3A_158 = tpu.memref_squeeze %dma_wait3A_157 : memref<1x1000xi32, #tpu.memory_space<vmem>> -> memref<1000xi32, #tpu.memory_space<vmem>>
    %dma_wait3A_159 = arith.constant 0 : i32
    %dma_wait3A_160 = tpu.memref_slice %arg9[%dma_wait3A_159] : memref<10240xf32, #tpu.memory_space<vmem_shared>> -> memref<10240xf32, #tpu.memory_space<vmem_shared>>
    tpu.wait_indirect_dma semaphore(%arg17 : memref<!tpu.dma_semaphore, #tpu.memory_space<semaphore_mem>>) src(%dma_wait3A_155 : memref<1000xf32, #tpu.memory_space<vmem>>) dst(%dma_wait3A_160 : memref<10240xf32, #tpu.memory_space<vmem_shared>>)
    %dma_wait3A_161 = arith.constant 4 : i32
    %dma_wait3A_162 = arith.constant 0 : i32
    %dma_wait3A_163 = tpu.memref_slice %arg14[%dma_wait3A_162] : memref<1024xf32, #tpu.memory_space<vmem>> -> memref<1000xf32, #tpu.memory_space<vmem>>
    %dma_wait3A_164 = arith.constant 0 : i32
    %dma_wait3A_165 = tpu.memref_slice %arg10[%dma_wait3A_161, %dma_wait3A_164] : memref<5x1000xi32, #tpu.memory_space<vmem>> -> memref<1x1000xi32, #tpu.memory_space<vmem>>
    %dma_wait3A_166 = tpu.memref_squeeze %dma_wait3A_165 : memref<1x1000xi32, #tpu.memory_space<vmem>> -> memref<1000xi32, #tpu.memory_space<vmem>>
    %dma_wait3A_167 = arith.constant 0 : i32
    %dma_wait3A_168 = tpu.memref_slice %arg9[%dma_wait3A_167] : memref<10240xf32, #tpu.memory_space<vmem_shared>> -> memref<10240xf32, #tpu.memory_space<vmem_shared>>
    tpu.wait_indirect_dma semaphore(%arg17 : memref<!tpu.dma_semaphore, #tpu.memory_space<semaphore_mem>>) src(%dma_wait3A_163 : memref<1000xf32, #tpu.memory_space<vmem>>) dst(%dma_wait3A_168 : memref<10240xf32, #tpu.memory_space<vmem_shared>>)
    %dma_wait3A_169 = arith.constant 0 : i32
    %dma_wait3A_170 = arith.constant 0 : i32
    %dma_wait3A_171 = tpu.memref_slice %arg14[%dma_wait3A_170] : memref<1024xf32, #tpu.memory_space<vmem>> -> memref<1000xf32, #tpu.memory_space<vmem>>
    %dma_wait3A_172 = arith.constant 0 : i32
    %dma_wait3A_173 = tpu.memref_slice %arg11[%dma_wait3A_169, %dma_wait3A_172] : memref<5x1000xi32, #tpu.memory_space<vmem>> -> memref<1x1000xi32, #tpu.memory_space<vmem>>
    %dma_wait3A_174 = tpu.memref_squeeze %dma_wait3A_173 : memref<1x1000xi32, #tpu.memory_space<vmem>> -> memref<1000xi32, #tpu.memory_space<vmem>>
    %dma_wait3A_175 = arith.constant 0 : i32
    %dma_wait3A_176 = tpu.memref_slice %arg9[%dma_wait3A_175] : memref<10240xf32, #tpu.memory_space<vmem_shared>> -> memref<10240xf32, #tpu.memory_space<vmem_shared>>
    tpu.wait_indirect_dma semaphore(%arg18 : memref<!tpu.dma_semaphore, #tpu.memory_space<semaphore_mem>>) src(%dma_wait3A_171 : memref<1000xf32, #tpu.memory_space<vmem>>) dst(%dma_wait3A_176 : memref<10240xf32, #tpu.memory_space<vmem_shared>>)
    %dma_wait3A_177 = arith.constant 1 : i32
    %dma_wait3A_178 = arith.constant 0 : i32
    %dma_wait3A_179 = tpu.memref_slice %arg14[%dma_wait3A_178] : memref<1024xf32, #tpu.memory_space<vmem>> -> memref<1000xf32, #tpu.memory_space<vmem>>
    %dma_wait3A_180 = arith.constant 0 : i32
    %dma_wait3A_181 = tpu.memref_slice %arg11[%dma_wait3A_177, %dma_wait3A_180] : memref<5x1000xi32, #tpu.memory_space<vmem>> -> memref<1x1000xi32, #tpu.memory_space<vmem>>
    %dma_wait3A_182 = tpu.memref_squeeze %dma_wait3A_181 : memref<1x1000xi32, #tpu.memory_space<vmem>> -> memref<1000xi32, #tpu.memory_space<vmem>>
    %dma_wait3A_183 = arith.constant 0 : i32
    %dma_wait3A_184 = tpu.memref_slice %arg9[%dma_wait3A_183] : memref<10240xf32, #tpu.memory_space<vmem_shared>> -> memref<10240xf32, #tpu.memory_space<vmem_shared>>
    tpu.wait_indirect_dma semaphore(%arg18 : memref<!tpu.dma_semaphore, #tpu.memory_space<semaphore_mem>>) src(%dma_wait3A_179 : memref<1000xf32, #tpu.memory_space<vmem>>) dst(%dma_wait3A_184 : memref<10240xf32, #tpu.memory_space<vmem_shared>>)
    %dma_wait3A_185 = arith.constant 2 : i32
    %dma_wait3A_186 = arith.constant 0 : i32
    %dma_wait3A_187 = tpu.memref_slice %arg14[%dma_wait3A_186] : memref<1024xf32, #tpu.memory_space<vmem>> -> memref<1000xf32, #tpu.memory_space<vmem>>
    %dma_wait3A_188 = arith.constant 0 : i32
    %dma_wait3A_189 = tpu.memref_slice %arg11[%dma_wait3A_185, %dma_wait3A_188] : memref<5x1000xi32, #tpu.memory_space<vmem>> -> memref<1x1000xi32, #tpu.memory_space<vmem>>
    %dma_wait3A_190 = tpu.memref_squeeze %dma_wait3A_189 : memref<1x1000xi32, #tpu.memory_space<vmem>> -> memref<1000xi32, #tpu.memory_space<vmem>>
    %dma_wait3A_191 = arith.constant 0 : i32
    %dma_wait3A_192 = tpu.memref_slice %arg9[%dma_wait3A_191] : memref<10240xf32, #tpu.memory_space<vmem_shared>> -> memref<10240xf32, #tpu.memory_space<vmem_shared>>
    tpu.wait_indirect_dma semaphore(%arg18 : memref<!tpu.dma_semaphore, #tpu.memory_space<semaphore_mem>>) src(%dma_wait3A_187 : memref<1000xf32, #tpu.memory_space<vmem>>) dst(%dma_wait3A_192 : memref<10240xf32, #tpu.memory_space<vmem_shared>>)
    %dma_wait3A_193 = arith.constant 3 : i32
    %dma_wait3A_194 = arith.constant 0 : i32
    %dma_wait3A_195 = tpu.memref_slice %arg14[%dma_wait3A_194] : memref<1024xf32, #tpu.memory_space<vmem>> -> memref<1000xf32, #tpu.memory_space<vmem>>
    %dma_wait3A_196 = arith.constant 0 : i32
    %dma_wait3A_197 = tpu.memref_slice %arg11[%dma_wait3A_193, %dma_wait3A_196] : memref<5x1000xi32, #tpu.memory_space<vmem>> -> memref<1x1000xi32, #tpu.memory_space<vmem>>
    %dma_wait3A_198 = tpu.memref_squeeze %dma_wait3A_197 : memref<1x1000xi32, #tpu.memory_space<vmem>> -> memref<1000xi32, #tpu.memory_space<vmem>>
    %dma_wait3A_199 = arith.constant 0 : i32
    %dma_wait3A_200 = tpu.memref_slice %arg9[%dma_wait3A_199] : memref<10240xf32, #tpu.memory_space<vmem_shared>> -> memref<10240xf32, #tpu.memory_space<vmem_shared>>
    tpu.wait_indirect_dma semaphore(%arg18 : memref<!tpu.dma_semaphore, #tpu.memory_space<semaphore_mem>>) src(%dma_wait3A_195 : memref<1000xf32, #tpu.memory_space<vmem>>) dst(%dma_wait3A_200 : memref<10240xf32, #tpu.memory_space<vmem_shared>>)
    %dma_wait3A_201 = arith.constant 4 : i32
    %dma_wait3A_202 = arith.constant 0 : i32
    %dma_wait3A_203 = tpu.memref_slice %arg14[%dma_wait3A_202] : memref<1024xf32, #tpu.memory_space<vmem>> -> memref<1000xf32, #tpu.memory_space<vmem>>
    %dma_wait3A_204 = arith.constant 0 : i32
    %dma_wait3A_205 = tpu.memref_slice %arg11[%dma_wait3A_201, %dma_wait3A_204] : memref<5x1000xi32, #tpu.memory_space<vmem>> -> memref<1x1000xi32, #tpu.memory_space<vmem>>
    %dma_wait3A_206 = tpu.memref_squeeze %dma_wait3A_205 : memref<1x1000xi32, #tpu.memory_space<vmem>> -> memref<1000xi32, #tpu.memory_space<vmem>>
    %dma_wait3A_207 = arith.constant 0 : i32
    %dma_wait3A_208 = tpu.memref_slice %arg9[%dma_wait3A_207] : memref<10240xf32, #tpu.memory_space<vmem_shared>> -> memref<10240xf32, #tpu.memory_space<vmem_shared>>
    tpu.wait_indirect_dma semaphore(%arg18 : memref<!tpu.dma_semaphore, #tpu.memory_space<semaphore_mem>>) src(%dma_wait3A_203 : memref<1000xf32, #tpu.memory_space<vmem>>) dst(%dma_wait3A_208 : memref<10240xf32, #tpu.memory_space<vmem_shared>>)
    %barrier3A_209 = arith.constant 0 : index
    tpu.barrier barrier_id(%barrier3A_209)
    "tpu.region"() ({
      %run_scoped3A_335 = tpu.sem_alloc : memref<!tpu.dma_semaphore, #tpu.memory_space<semaphore_mem>>
      %dma_start3A_336 = tpu.memref_slice %arg9[%mul3A_0] : memref<10240xf32, #tpu.memory_space<vmem_shared>> -> memref<640xf32, #tpu.memory_space<vmem_shared>>
      %dma_start3A_337 = tpu.memref_slice %arg9[%mul3A_0] : memref<10240xf32, #tpu.memory_space<vmem_shared>> -> memref<640xf32, #tpu.memory_space<vmem_shared>>
      tpu.enqueue_dma source(%dma_start3A_337 : memref<640xf32, #tpu.memory_space<vmem_shared>>) target(%arg15 : memref<640xf32, #tpu.memory_space<vmem>>) target_semaphore(%run_scoped3A_335 : memref<!tpu.dma_semaphore, #tpu.memory_space<semaphore_mem>>)
      %dma_wait3A_338 = tpu.memref_slice %arg9[%mul3A_0] : memref<10240xf32, #tpu.memory_space<vmem_shared>> -> memref<640xf32, #tpu.memory_space<vmem_shared>>
      %dma_wait3A_339 = tpu.memref_slice %arg9[%mul3A_0] : memref<10240xf32, #tpu.memory_space<vmem_shared>> -> memref<640xf32, #tpu.memory_space<vmem_shared>>
      tpu.wait_dma2 semaphore(%run_scoped3A_335 : memref<!tpu.dma_semaphore, #tpu.memory_space<semaphore_mem>>) src(%dma_wait3A_339 : memref<640xf32, #tpu.memory_space<vmem_shared>>) dst(%arg15 : memref<640xf32, #tpu.memory_space<vmem>>)
      tpu.yield
    }) : () -> ()
    %scan3A_210 = arith.constant 0 : i32
    %scan3A_211 = arith.constant 40 : i32
    %scan3A_212 = arith.addi %scan3A_210, %scan3A_211 : i32
    %scan3A_213 = arith.constant 1 : i32
    scf.for %scan3A_335 = %scan3A_210 to %scan3A_212 step %scan3A_213  : i32 {
      %mul3A_336 = arith.constant 1 : i32
      %mul3A_337 = arith.muli %scan3A_335, %mul3A_336 : i32
      %add3A_338 = arith.constant 0 : i32
      %add3A_339 = arith.addi %add3A_338, %mul3A_337 : i32
      %mul3A_340 = arith.constant 16 : i32
      %mul3A_341 = arith.muli %add3A_339, %mul3A_340 : i32
      %get3A = arith.index_cast %mul3A_341 : i32 to index
      %get3A_342 = tpu.vector_load %arg15[%get3A] {strides = array<i32>} : memref<640xf32, #tpu.memory_space<vmem>>, vector<16xf32>,
      %convert_element_type3A_343 = arith.fptosi %get3A_342 : vector<16xf32> to vector<16xi32>
      %mul3A_344 = arith.constant 16 : i32
      %mul3A_345 = arith.muli %add3A_339, %mul3A_344 : i32
      %swap3A = arith.index_cast %mul3A_345 : i32 to index
      %swap3A_346 = tpu.vector_load %arg16[%swap3A] {strides = array<i32>} : memref<640xi32, #tpu.memory_space<vmem>>, vector<16xi32>,
      tpu.vector_store %arg16[%swap3A], %convert_element_type3A_343 {strides = array<i32>} : memref<640xi32, #tpu.memory_space<vmem>>, vector<16xi32>,
    }
    %scan3A_214 = arith.constant 40 : i32
    %dma_start3A_215 = arith.constant 0 : i32
    %dma_start3A_216 = tpu.memref_slice %arg4[%dma_start3A_215] : memref<160001xf32, #tpu.memory_space<hbm>> -> memref<160001xf32, #tpu.memory_space<hbm>>
    tpu.enqueue_indirect_dma source(%dma_start3A_216 : memref<160001xf32, #tpu.memory_space<hbm>>) target(%arg15 : memref<640xf32, #tpu.memory_space<vmem>>) offsets(%arg16 : memref<640xi32, #tpu.memory_space<vmem>>) semaphore(%arg17 : memref<!tpu.dma_semaphore, #tpu.memory_space<semaphore_mem>>)
    %dma_wait3A_217 = arith.constant 0 : i32
    %dma_wait3A_218 = tpu.memref_slice %arg4[%dma_wait3A_217] : memref<160001xf32, #tpu.memory_space<hbm>> -> memref<160001xf32, #tpu.memory_space<hbm>>
    tpu.wait_indirect_dma semaphore(%arg17 : memref<!tpu.dma_semaphore, #tpu.memory_space<semaphore_mem>>) src(%dma_wait3A_218 : memref<160001xf32, #tpu.memory_space<hbm>>) dst(%arg15 : memref<640xf32, #tpu.memory_space<vmem>>)
    %eq3A = arith.constant 0 : i32
    %eq3A_219 = arith.cmpi eq, %arg0, %eq3A : i32
    %convert_element_type3A = arith.extui %eq3A_219 : i1 to i32
    %cond3A = arith.constant 0 : i32
    %cond3A_220 = arith.cmpi ne, %convert_element_type3A, %cond3A : i32
    scf.if %cond3A_220 {
      "tpu.region"() ({
        %run_scoped3A_335 = tpu.sem_alloc : memref<!tpu.dma_semaphore, #tpu.memory_space<semaphore_mem>>
        %dma_start3A_336 = tpu.memref_slice %arg6[%mul3A_0] : memref<10240xf32, #tpu.memory_space<hbm>> -> memref<640xf32, #tpu.memory_space<hbm>>
        %dma_start3A_337 = tpu.memref_slice %arg6[%mul3A_0] : memref<10240xf32, #tpu.memory_space<hbm>> -> memref<640xf32, #tpu.memory_space<hbm>>
        tpu.enqueue_dma source(%arg15 : memref<640xf32, #tpu.memory_space<vmem>>) target(%dma_start3A_337 : memref<640xf32, #tpu.memory_space<hbm>>) target_semaphore(%run_scoped3A_335 : memref<!tpu.dma_semaphore, #tpu.memory_space<semaphore_mem>>)
        %dma_wait3A_338 = tpu.memref_slice %arg6[%mul3A_0] : memref<10240xf32, #tpu.memory_space<hbm>> -> memref<640xf32, #tpu.memory_space<hbm>>
        %dma_wait3A_339 = tpu.memref_slice %arg6[%mul3A_0] : memref<10240xf32, #tpu.memory_space<hbm>> -> memref<640xf32, #tpu.memory_space<hbm>>
        tpu.wait_dma2 semaphore(%run_scoped3A_335 : memref<!tpu.dma_semaphore, #tpu.memory_space<semaphore_mem>>) src(%arg15 : memref<640xf32, #tpu.memory_space<vmem>>) dst(%dma_wait3A_339 : memref<640xf32, #tpu.memory_space<hbm>>)
        tpu.yield
      }) : () -> ()
    } else {
    }
    %scan3A_221 = arith.constant 0 : i32
    %scan3A_222 = arith.constant 640 : i32
    %scan3A_223 = arith.addi %scan3A_221, %scan3A_222 : i32
    %scan3A_224 = arith.constant 1 : i32
    scf.for %scan3A_335 = %scan3A_221 to %scan3A_223 step %scan3A_224  : i32 {
      %mul3A_336 = arith.constant 1 : i32
      %mul3A_337 = arith.muli %scan3A_335, %mul3A_336 : i32
      %add3A_338 = arith.constant 0 : i32
      %add3A_339 = arith.addi %add3A_338, %mul3A_337 : i32
      %broadcast_in_dim3A_340 = vector.broadcast %add3A_339 : i32 to vector<16xi32>
      %gather3A = tpu.vector_load_idx %arg15[%broadcast_in_dim3A_340] : memref<640xf32, #tpu.memory_space<vmem>>[vector<16xi32>], vector<16xf32>,
      %get3A = arith.index_cast %add3A_339 : i32 to index
      %get3A_341 = arith.constant 0 : index
      %get3A_342 = tpu.vector_load %arg13[%get3A, %get3A_341] {strides = array<i32>} : memref<1000x32xf32, #tpu.memory_space<vmem>>, vector<16xf32>,
      %mul3A_343 = arith.mulf %get3A_342, %gather3A : vector<16xf32>
      %swap3A = arith.index_cast %add3A_339 : i32 to index
      %swap3A_344 = arith.constant 0 : index
      %swap3A_345 = tpu.vector_load %arg13[%swap3A, %swap3A_344] {strides = array<i32>} : memref<1000x32xf32, #tpu.memory_space<vmem>>, vector<16xf32>,
      tpu.vector_store %arg13[%swap3A, %swap3A_344], %mul3A_343 {strides = array<i32>} : memref<1000x32xf32, #tpu.memory_space<vmem>>, vector<16xf32>,
      %get3A_346 = arith.index_cast %add3A_339 : i32 to index
      %get3A_347 = arith.constant 16 : index
      %get3A_348 = tpu.vector_load %arg13[%get3A_346, %get3A_347] {strides = array<i32>} : memref<1000x32xf32, #tpu.memory_space<vmem>>, vector<16xf32>,
      %mul3A_349 = arith.mulf %get3A_348, %gather3A : vector<16xf32>
      %swap3A_350 = arith.index_cast %add3A_339 : i32 to index
      %swap3A_351 = arith.constant 16 : index
      %swap3A_352 = tpu.vector_load %arg13[%swap3A_350, %swap3A_351] {strides = array<i32>} : memref<1000x32xf32, #tpu.memory_space<vmem>>, vector<16xf32>,
      tpu.vector_store %arg13[%swap3A_350, %swap3A_351], %mul3A_349 {strides = array<i32>} : memref<1000x32xf32, #tpu.memory_space<vmem>>, vector<16xf32>,
    }
    %scan3A_225 = arith.constant 640 : i32
    "tpu.region"() ({
      %run_scoped3A_335 = tpu.sem_alloc : memref<!tpu.dma_semaphore, #tpu.memory_space<semaphore_mem>>
      %dma_start3A_336 = arith.constant 0 : i32
      %dma_start3A_337 = arith.constant 0 : i32
      %dma_start3A_338 = tpu.memref_slice %arg13[%dma_start3A_336, %dma_start3A_337] : memref<1000x32xf32, #tpu.memory_space<vmem>> -> memref<640x32xf32, #tpu.memory_space<vmem>>
      %dma_start3A_339 = arith.constant 0 : i32
      %dma_start3A_340 = tpu.memref_slice %arg7[%mul3A_0, %dma_start3A_339] : memref<10240x32xf32, #tpu.memory_space<vmem_shared>> -> memref<640x32xf32, #tpu.memory_space<vmem_shared>>
      %dma_start3A_341 = arith.constant 0 : i32
      %dma_start3A_342 = tpu.memref_slice %arg7[%mul3A_0, %dma_start3A_341] : memref<10240x32xf32, #tpu.memory_space<vmem_shared>> -> memref<640x32xf32, #tpu.memory_space<vmem_shared>>
      %dma_start3A_343 = arith.constant 0 : i32
      %dma_start3A_344 = arith.constant 0 : i32
      %dma_start3A_345 = tpu.memref_slice %arg13[%dma_start3A_343, %dma_start3A_344] : memref<1000x32xf32, #tpu.memory_space<vmem>> -> memref<640x32xf32, #tpu.memory_space<vmem>>
      tpu.enqueue_dma source(%dma_start3A_345 : memref<640x32xf32, #tpu.memory_space<vmem>>) target(%dma_start3A_342 : memref<640x32xf32, #tpu.memory_space<vmem_shared>>) target_semaphore(%run_scoped3A_335 : memref<!tpu.dma_semaphore, #tpu.memory_space<semaphore_mem>>)
      %dma_wait3A_346 = arith.constant 0 : i32
      %dma_wait3A_347 = arith.constant 0 : i32
      %dma_wait3A_348 = tpu.memref_slice %arg13[%dma_wait3A_346, %dma_wait3A_347] : memref<1000x32xf32, #tpu.memory_space<vmem>> -> memref<640x32xf32, #tpu.memory_space<vmem>>
      %dma_wait3A_349 = arith.constant 0 : i32
      %dma_wait3A_350 = tpu.memref_slice %arg7[%mul3A_0, %dma_wait3A_349] : memref<10240x32xf32, #tpu.memory_space<vmem_shared>> -> memref<640x32xf32, #tpu.memory_space<vmem_shared>>
      %dma_wait3A_351 = arith.constant 0 : i32
      %dma_wait3A_352 = tpu.memref_slice %arg7[%mul3A_0, %dma_wait3A_351] : memref<10240x32xf32, #tpu.memory_space<vmem_shared>> -> memref<640x32xf32, #tpu.memory_space<vmem_shared>>
      %dma_wait3A_353 = arith.constant 0 : i32
      %dma_wait3A_354 = arith.constant 0 : i32
      %dma_wait3A_355 = tpu.memref_slice %arg13[%dma_wait3A_353, %dma_wait3A_354] : memref<1000x32xf32, #tpu.memory_space<vmem>> -> memref<640x32xf32, #tpu.memory_space<vmem>>
      tpu.wait_dma2 semaphore(%run_scoped3A_335 : memref<!tpu.dma_semaphore, #tpu.memory_space<semaphore_mem>>) src(%dma_wait3A_355 : memref<640x32xf32, #tpu.memory_space<vmem>>) dst(%dma_wait3A_352 : memref<640x32xf32, #tpu.memory_space<vmem_shared>>)
      tpu.yield
    }) : () -> ()
    %barrier3A_226 = arith.constant 0 : index
    tpu.barrier barrier_id(%barrier3A_226)
    %mul3A_227 = arith.constant 80 : i32
    %mul3A_228 = arith.muli %arg0, %mul3A_227 : i32
    %mul3A_229 = arith.constant 5 : i32
    %mul3A_230 = arith.muli %arg1, %mul3A_229 : i32
    %add3A_231 = arith.addi %mul3A_228, %mul3A_230 : i32
    %dma_start3A_232 = arith.constant 0 : i32
    %dma_start3A_233 = arith.constant 0 : i32
    %dma_start3A_234 = tpu.memref_slice %arg2[%dma_start3A_232, %add3A_231, %dma_start3A_233] : memref<2x160x1000xi32, #tpu.memory_space<hbm>> -> memref<1x5x1000xi32, #tpu.memory_space<hbm>>
    %dma_start3A_235 = tpu.memref_squeeze %dma_start3A_234 : memref<1x5x1000xi32, #tpu.memory_space<hbm>> -> memref<5x1000xi32, #tpu.memory_space<hbm>>
    %dma_start3A_236 = arith.constant 0 : i32
    %dma_start3A_237 = tpu.memref_slice %arg2[%dma_start3A_232, %add3A_231, %dma_start3A_236] : memref<2x160x1000xi32, #tpu.memory_space<hbm>> -> memref<1x5x1000xi32, #tpu.memory_space<hbm>>
    %dma_start3A_238 = tpu.memref_squeeze %dma_start3A_237 : memref<1x5x1000xi32, #tpu.memory_space<hbm>> -> memref<5x1000xi32, #tpu.memory_space<hbm>>
    tpu.enqueue_dma source(%dma_start3A_238 : memref<5x1000xi32, #tpu.memory_space<hbm>>) target(%arg10 : memref<5x1000xi32, #tpu.memory_space<vmem>>) target_semaphore(%arg17 : memref<!tpu.dma_semaphore, #tpu.memory_space<semaphore_mem>>)
    %dma_start3A_239 = arith.constant 1 : i32
    %dma_start3A_240 = arith.constant 0 : i32
    %dma_start3A_241 = tpu.memref_slice %arg2[%dma_start3A_239, %add3A_231, %dma_start3A_240] : memref<2x160x1000xi32, #tpu.memory_space<hbm>> -> memref<1x5x1000xi32, #tpu.memory_space<hbm>>
    %dma_start3A_242 = tpu.memref_squeeze %dma_start3A_241 : memref<1x5x1000xi32, #tpu.memory_space<hbm>> -> memref<5x1000xi32, #tpu.memory_space<hbm>>
    %dma_start3A_243 = arith.constant 0 : i32
    %dma_start3A_244 = tpu.memref_slice %arg2[%dma_start3A_239, %add3A_231, %dma_start3A_243] : memref<2x160x1000xi32, #tpu.memory_space<hbm>> -> memref<1x5x1000xi32, #tpu.memory_space<hbm>>
    %dma_start3A_245 = tpu.memref_squeeze %dma_start3A_244 : memref<1x5x1000xi32, #tpu.memory_space<hbm>> -> memref<5x1000xi32, #tpu.memory_space<hbm>>
    tpu.enqueue_dma source(%dma_start3A_245 : memref<5x1000xi32, #tpu.memory_space<hbm>>) target(%arg11 : memref<5x1000xi32, #tpu.memory_space<vmem>>) target_semaphore(%arg18 : memref<!tpu.dma_semaphore, #tpu.memory_space<semaphore_mem>>)
    %dma_wait3A_246 = arith.constant 0 : i32
    %dma_wait3A_247 = arith.constant 0 : i32
    %dma_wait3A_248 = tpu.memref_slice %arg2[%dma_wait3A_246, %add3A_231, %dma_wait3A_247] : memref<2x160x1000xi32, #tpu.memory_space<hbm>> -> memref<1x5x1000xi32, #tpu.memory_space<hbm>>
    %dma_wait3A_249 = tpu.memref_squeeze %dma_wait3A_248 : memref<1x5x1000xi32, #tpu.memory_space<hbm>> -> memref<5x1000xi32, #tpu.memory_space<hbm>>
    %dma_wait3A_250 = arith.constant 0 : i32
    %dma_wait3A_251 = tpu.memref_slice %arg2[%dma_wait3A_246, %add3A_231, %dma_wait3A_250] : memref<2x160x1000xi32, #tpu.memory_space<hbm>> -> memref<1x5x1000xi32, #tpu.memory_space<hbm>>
    %dma_wait3A_252 = tpu.memref_squeeze %dma_wait3A_251 : memref<1x5x1000xi32, #tpu.memory_space<hbm>> -> memref<5x1000xi32, #tpu.memory_space<hbm>>
    tpu.wait_dma2 semaphore(%arg17 : memref<!tpu.dma_semaphore, #tpu.memory_space<semaphore_mem>>) src(%dma_wait3A_252 : memref<5x1000xi32, #tpu.memory_space<hbm>>) dst(%arg10 : memref<5x1000xi32, #tpu.memory_space<vmem>>)
    %dma_wait3A_253 = arith.constant 1 : i32
    %dma_wait3A_254 = arith.constant 0 : i32
    %dma_wait3A_255 = tpu.memref_slice %arg2[%dma_wait3A_253, %add3A_231, %dma_wait3A_254] : memref<2x160x1000xi32, #tpu.memory_space<hbm>> -> memref<1x5x1000xi32, #tpu.memory_space<hbm>>
    %dma_wait3A_256 = tpu.memref_squeeze %dma_wait3A_255 : memref<1x5x1000xi32, #tpu.memory_space<hbm>> -> memref<5x1000xi32, #tpu.memory_space<hbm>>
    %dma_wait3A_257 = arith.constant 0 : i32
    %dma_wait3A_258 = tpu.memref_slice %arg2[%dma_wait3A_253, %add3A_231, %dma_wait3A_257] : memref<2x160x1000xi32, #tpu.memory_space<hbm>> -> memref<1x5x1000xi32, #tpu.memory_space<hbm>>
    %dma_wait3A_259 = tpu.memref_squeeze %dma_wait3A_258 : memref<1x5x1000xi32, #tpu.memory_space<hbm>> -> memref<5x1000xi32, #tpu.memory_space<hbm>>
    tpu.wait_dma2 semaphore(%arg18 : memref<!tpu.dma_semaphore, #tpu.memory_space<semaphore_mem>>) src(%dma_wait3A_259 : memref<5x1000xi32, #tpu.memory_space<hbm>>) dst(%arg11 : memref<5x1000xi32, #tpu.memory_space<vmem>>)
    %dma_start3A_260 = arith.constant 0 : i32
    %dma_start3A_261 = arith.constant 0 : i32
    %dma_start3A_262 = tpu.memref_slice %arg10[%dma_start3A_260, %dma_start3A_261] : memref<5x1000xi32, #tpu.memory_space<vmem>> -> memref<1x1000xi32, #tpu.memory_space<vmem>>
    %dma_start3A_263 = tpu.memref_squeeze %dma_start3A_262 : memref<1x1000xi32, #tpu.memory_space<vmem>> -> memref<1000xi32, #tpu.memory_space<vmem>>
    %dma_start3A_264 = arith.constant 0 : i32
    %dma_start3A_265 = arith.constant 0 : i32
    %dma_start3A_266 = tpu.memref_slice %arg7[%dma_start3A_264, %dma_start3A_265] : memref<10240x32xf32, #tpu.memory_space<vmem_shared>> -> memref<10240x32xf32, #tpu.memory_space<vmem_shared>>
    tpu.enqueue_indirect_dma source(%dma_start3A_266 : memref<10240x32xf32, #tpu.memory_space<vmem_shared>>) target(%arg12 : memref<1000x32xf32, #tpu.memory_space<vmem>>) offsets(%dma_start3A_263 : memref<1000xi32, #tpu.memory_space<vmem>>) semaphore(%arg17 : memref<!tpu.dma_semaphore, #tpu.memory_space<semaphore_mem>>)
    %dma_wait3A_267 = arith.constant 0 : i32
    %dma_wait3A_268 = arith.constant 0 : i32
    %dma_wait3A_269 = tpu.memref_slice %arg10[%dma_wait3A_267, %dma_wait3A_268] : memref<5x1000xi32, #tpu.memory_space<vmem>> -> memref<1x1000xi32, #tpu.memory_space<vmem>>
    %dma_wait3A_270 = tpu.memref_squeeze %dma_wait3A_269 : memref<1x1000xi32, #tpu.memory_space<vmem>> -> memref<1000xi32, #tpu.memory_space<vmem>>
    %dma_wait3A_271 = arith.constant 0 : i32
    %dma_wait3A_272 = arith.constant 0 : i32
    %dma_wait3A_273 = tpu.memref_slice %arg7[%dma_wait3A_271, %dma_wait3A_272] : memref<10240x32xf32, #tpu.memory_space<vmem_shared>> -> memref<10240x32xf32, #tpu.memory_space<vmem_shared>>
    tpu.wait_indirect_dma semaphore(%arg17 : memref<!tpu.dma_semaphore, #tpu.memory_space<semaphore_mem>>) src(%dma_wait3A_273 : memref<10240x32xf32, #tpu.memory_space<vmem_shared>>) dst(%arg12 : memref<1000x32xf32, #tpu.memory_space<vmem>>)
    %dma_start3A_274 = arith.constant 1 : i32
    %dma_start3A_275 = arith.constant 0 : i32
    %dma_start3A_276 = tpu.memref_slice %arg10[%dma_start3A_274, %dma_start3A_275] : memref<5x1000xi32, #tpu.memory_space<vmem>> -> memref<1x1000xi32, #tpu.memory_space<vmem>>
    %dma_start3A_277 = tpu.memref_squeeze %dma_start3A_276 : memref<1x1000xi32, #tpu.memory_space<vmem>> -> memref<1000xi32, #tpu.memory_space<vmem>>
    %dma_start3A_278 = arith.constant 0 : i32
    %dma_start3A_279 = arith.constant 0 : i32
    %dma_start3A_280 = tpu.memref_slice %arg7[%dma_start3A_278, %dma_start3A_279] : memref<10240x32xf32, #tpu.memory_space<vmem_shared>> -> memref<10240x32xf32, #tpu.memory_space<vmem_shared>>
    tpu.enqueue_indirect_dma source(%dma_start3A_280 : memref<10240x32xf32, #tpu.memory_space<vmem_shared>>) target(%arg13 : memref<1000x32xf32, #tpu.memory_space<vmem>>) offsets(%dma_start3A_277 : memref<1000xi32, #tpu.memory_space<vmem>>) semaphore(%arg18 : memref<!tpu.dma_semaphore, #tpu.memory_space<semaphore_mem>>)
    %run_scoped3A = arith.constant 0 : i32
    "tpu.region"() ({
      %run_scoped3A_335 = tpu.sem_alloc : memref<!tpu.dma_semaphore, #tpu.memory_space<semaphore_mem>>
      %dma_start3A_336 = arith.constant 0 : i32
      %dma_start3A_337 = tpu.memref_slice %arg11[%run_scoped3A, %dma_start3A_336] : memref<5x1000xi32, #tpu.memory_space<vmem>> -> memref<1x1000xi32, #tpu.memory_space<vmem>>
      %dma_start3A_338 = tpu.memref_squeeze %dma_start3A_337 : memref<1x1000xi32, #tpu.memory_space<vmem>> -> memref<1000xi32, #tpu.memory_space<vmem>>
      %dma_start3A_339 = arith.constant 0 : i32
      %dma_start3A_340 = arith.constant 0 : i32
      %dma_start3A_341 = tpu.memref_slice %arg8[%dma_start3A_339, %dma_start3A_340] : memref<10240x32xf32, #tpu.memory_space<vmem_shared>> -> memref<10240x32xf32, #tpu.memory_space<vmem_shared>>
      tpu.enqueue_indirect_dma source(%arg12 : memref<1000x32xf32, #tpu.memory_space<vmem>>) target(%dma_start3A_341 : memref<10240x32xf32, #tpu.memory_space<vmem_shared>>) offsets(%dma_start3A_338 : memref<1000xi32, #tpu.memory_space<vmem>>) semaphore(%run_scoped3A_335 : memref<!tpu.dma_semaphore, #tpu.memory_space<semaphore_mem>>) {add = true}
      %dma_wait3A_342 = arith.constant 0 : i32
      %dma_wait3A_343 = tpu.memref_slice %arg11[%run_scoped3A, %dma_wait3A_342] : memref<5x1000xi32, #tpu.memory_space<vmem>> -> memref<1x1000xi32, #tpu.memory_space<vmem>>
      %dma_wait3A_344 = tpu.memref_squeeze %dma_wait3A_343 : memref<1x1000xi32, #tpu.memory_space<vmem>> -> memref<1000xi32, #tpu.memory_space<vmem>>
      %dma_wait3A_345 = arith.constant 0 : i32
      %dma_wait3A_346 = arith.constant 0 : i32
      %dma_wait3A_347 = tpu.memref_slice %arg8[%dma_wait3A_345, %dma_wait3A_346] : memref<10240x32xf32, #tpu.memory_space<vmem_shared>> -> memref<10240x32xf32, #tpu.memory_space<vmem_shared>>
      tpu.wait_indirect_dma semaphore(%run_scoped3A_335 : memref<!tpu.dma_semaphore, #tpu.memory_space<semaphore_mem>>) src(%arg12 : memref<1000x32xf32, #tpu.memory_space<vmem>>) dst(%dma_wait3A_347 : memref<10240x32xf32, #tpu.memory_space<vmem_shared>>)
      tpu.yield
    }) : () -> ()
    %dma_wait3A_281 = arith.constant 1 : i32
    %dma_wait3A_282 = arith.constant 0 : i32
    %dma_wait3A_283 = tpu.memref_slice %arg10[%dma_wait3A_281, %dma_wait3A_282] : memref<5x1000xi32, #tpu.memory_space<vmem>> -> memref<1x1000xi32, #tpu.memory_space<vmem>>
    %dma_wait3A_284 = tpu.memref_squeeze %dma_wait3A_283 : memref<1x1000xi32, #tpu.memory_space<vmem>> -> memref<1000xi32, #tpu.memory_space<vmem>>
    %dma_wait3A_285 = arith.constant 0 : i32
    %dma_wait3A_286 = arith.constant 0 : i32
    %dma_wait3A_287 = tpu.memref_slice %arg7[%dma_wait3A_285, %dma_wait3A_286] : memref<10240x32xf32, #tpu.memory_space<vmem_shared>> -> memref<10240x32xf32, #tpu.memory_space<vmem_shared>>
    tpu.wait_indirect_dma semaphore(%arg18 : memref<!tpu.dma_semaphore, #tpu.memory_space<semaphore_mem>>) src(%dma_wait3A_287 : memref<10240x32xf32, #tpu.memory_space<vmem_shared>>) dst(%arg13 : memref<1000x32xf32, #tpu.memory_space<vmem>>)
    %dma_start3A_288 = arith.constant 2 : i32
    %dma_start3A_289 = arith.constant 0 : i32
    %dma_start3A_290 = tpu.memref_slice %arg10[%dma_start3A_288, %dma_start3A_289] : memref<5x1000xi32, #tpu.memory_space<vmem>> -> memref<1x1000xi32, #tpu.memory_space<vmem>>
    %dma_start3A_291 = tpu.memref_squeeze %dma_start3A_290 : memref<1x1000xi32, #tpu.memory_space<vmem>> -> memref<1000xi32, #tpu.memory_space<vmem>>
    %dma_start3A_292 = arith.constant 0 : i32
    %dma_start3A_293 = arith.constant 0 : i32
    %dma_start3A_294 = tpu.memref_slice %arg7[%dma_start3A_292, %dma_start3A_293] : memref<10240x32xf32, #tpu.memory_space<vmem_shared>> -> memref<10240x32xf32, #tpu.memory_space<vmem_shared>>
    tpu.enqueue_indirect_dma source(%dma_start3A_294 : memref<10240x32xf32, #tpu.memory_space<vmem_shared>>) target(%arg12 : memref<1000x32xf32, #tpu.memory_space<vmem>>) offsets(%dma_start3A_291 : memref<1000xi32, #tpu.memory_space<vmem>>) semaphore(%arg17 : memref<!tpu.dma_semaphore, #tpu.memory_space<semaphore_mem>>)
    %run_scoped3A_295 = arith.constant 1 : i32
    "tpu.region"() ({
      %run_scoped3A_335 = tpu.sem_alloc : memref<!tpu.dma_semaphore, #tpu.memory_space<semaphore_mem>>
      %dma_start3A_336 = arith.constant 0 : i32
      %dma_start3A_337 = tpu.memref_slice %arg11[%run_scoped3A_295, %dma_start3A_336] : memref<5x1000xi32, #tpu.memory_space<vmem>> -> memref<1x1000xi32, #tpu.memory_space<vmem>>
      %dma_start3A_338 = tpu.memref_squeeze %dma_start3A_337 : memref<1x1000xi32, #tpu.memory_space<vmem>> -> memref<1000xi32, #tpu.memory_space<vmem>>
      %dma_start3A_339 = arith.constant 0 : i32
      %dma_start3A_340 = arith.constant 0 : i32
      %dma_start3A_341 = tpu.memref_slice %arg8[%dma_start3A_339, %dma_start3A_340] : memref<10240x32xf32, #tpu.memory_space<vmem_shared>> -> memref<10240x32xf32, #tpu.memory_space<vmem_shared>>
      tpu.enqueue_indirect_dma source(%arg13 : memref<1000x32xf32, #tpu.memory_space<vmem>>) target(%dma_start3A_341 : memref<10240x32xf32, #tpu.memory_space<vmem_shared>>) offsets(%dma_start3A_338 : memref<1000xi32, #tpu.memory_space<vmem>>) semaphore(%run_scoped3A_335 : memref<!tpu.dma_semaphore, #tpu.memory_space<semaphore_mem>>) {add = true}
      %dma_wait3A_342 = arith.constant 0 : i32
      %dma_wait3A_343 = tpu.memref_slice %arg11[%run_scoped3A_295, %dma_wait3A_342] : memref<5x1000xi32, #tpu.memory_space<vmem>> -> memref<1x1000xi32, #tpu.memory_space<vmem>>
      %dma_wait3A_344 = tpu.memref_squeeze %dma_wait3A_343 : memref<1x1000xi32, #tpu.memory_space<vmem>> -> memref<1000xi32, #tpu.memory_space<vmem>>
      %dma_wait3A_345 = arith.constant 0 : i32
      %dma_wait3A_346 = arith.constant 0 : i32
      %dma_wait3A_347 = tpu.memref_slice %arg8[%dma_wait3A_345, %dma_wait3A_346] : memref<10240x32xf32, #tpu.memory_space<vmem_shared>> -> memref<10240x32xf32, #tpu.memory_space<vmem_shared>>
      tpu.wait_indirect_dma semaphore(%run_scoped3A_335 : memref<!tpu.dma_semaphore, #tpu.memory_space<semaphore_mem>>) src(%arg13 : memref<1000x32xf32, #tpu.memory_space<vmem>>) dst(%dma_wait3A_347 : memref<10240x32xf32, #tpu.memory_space<vmem_shared>>)
      tpu.yield
    }) : () -> ()
    %dma_wait3A_296 = arith.constant 2 : i32
    %dma_wait3A_297 = arith.constant 0 : i32
    %dma_wait3A_298 = tpu.memref_slice %arg10[%dma_wait3A_296, %dma_wait3A_297] : memref<5x1000xi32, #tpu.memory_space<vmem>> -> memref<1x1000xi32, #tpu.memory_space<vmem>>
    %dma_wait3A_299 = tpu.memref_squeeze %dma_wait3A_298 : memref<1x1000xi32, #tpu.memory_space<vmem>> -> memref<1000xi32, #tpu.memory_space<vmem>>
    %dma_wait3A_300 = arith.constant 0 : i32
    %dma_wait3A_301 = arith.constant 0 : i32
    %dma_wait3A_302 = tpu.memref_slice %arg7[%dma_wait3A_300, %dma_wait3A_301] : memref<10240x32xf32, #tpu.memory_space<vmem_shared>> -> memref<10240x32xf32, #tpu.memory_space<vmem_shared>>
    tpu.wait_indirect_dma semaphore(%arg17 : memref<!tpu.dma_semaphore, #tpu.memory_space<semaphore_mem>>) src(%dma_wait3A_302 : memref<10240x32xf32, #tpu.memory_space<vmem_shared>>) dst(%arg12 : memref<1000x32xf32, #tpu.memory_space<vmem>>)
    %dma_start3A_303 = arith.constant 3 : i32
    %dma_start3A_304 = arith.constant 0 : i32
    %dma_start3A_305 = tpu.memref_slice %arg10[%dma_start3A_303, %dma_start3A_304] : memref<5x1000xi32, #tpu.memory_space<vmem>> -> memref<1x1000xi32, #tpu.memory_space<vmem>>
    %dma_start3A_306 = tpu.memref_squeeze %dma_start3A_305 : memref<1x1000xi32, #tpu.memory_space<vmem>> -> memref<1000xi32, #tpu.memory_space<vmem>>
    %dma_start3A_307 = arith.constant 0 : i32
    %dma_start3A_308 = arith.constant 0 : i32
    %dma_start3A_309 = tpu.memref_slice %arg7[%dma_start3A_307, %dma_start3A_308] : memref<10240x32xf32, #tpu.memory_space<vmem_shared>> -> memref<10240x32xf32, #tpu.memory_space<vmem_shared>>
    tpu.enqueue_indirect_dma source(%dma_start3A_309 : memref<10240x32xf32, #tpu.memory_space<vmem_shared>>) target(%arg13 : memref<1000x32xf32, #tpu.memory_space<vmem>>) offsets(%dma_start3A_306 : memref<1000xi32, #tpu.memory_space<vmem>>) semaphore(%arg18 : memref<!tpu.dma_semaphore, #tpu.memory_space<semaphore_mem>>)
    %run_scoped3A_310 = arith.constant 2 : i32
    "tpu.region"() ({
      %run_scoped3A_335 = tpu.sem_alloc : memref<!tpu.dma_semaphore, #tpu.memory_space<semaphore_mem>>
      %dma_start3A_336 = arith.constant 0 : i32
      %dma_start3A_337 = tpu.memref_slice %arg11[%run_scoped3A_310, %dma_start3A_336] : memref<5x1000xi32, #tpu.memory_space<vmem>> -> memref<1x1000xi32, #tpu.memory_space<vmem>>
      %dma_start3A_338 = tpu.memref_squeeze %dma_start3A_337 : memref<1x1000xi32, #tpu.memory_space<vmem>> -> memref<1000xi32, #tpu.memory_space<vmem>>
      %dma_start3A_339 = arith.constant 0 : i32
      %dma_start3A_340 = arith.constant 0 : i32
      %dma_start3A_341 = tpu.memref_slice %arg8[%dma_start3A_339, %dma_start3A_340] : memref<10240x32xf32, #tpu.memory_space<vmem_shared>> -> memref<10240x32xf32, #tpu.memory_space<vmem_shared>>
      tpu.enqueue_indirect_dma source(%arg12 : memref<1000x32xf32, #tpu.memory_space<vmem>>) target(%dma_start3A_341 : memref<10240x32xf32, #tpu.memory_space<vmem_shared>>) offsets(%dma_start3A_338 : memref<1000xi32, #tpu.memory_space<vmem>>) semaphore(%run_scoped3A_335 : memref<!tpu.dma_semaphore, #tpu.memory_space<semaphore_mem>>) {add = true}
      %dma_wait3A_342 = arith.constant 0 : i32
      %dma_wait3A_343 = tpu.memref_slice %arg11[%run_scoped3A_310, %dma_wait3A_342] : memref<5x1000xi32, #tpu.memory_space<vmem>> -> memref<1x1000xi32, #tpu.memory_space<vmem>>
      %dma_wait3A_344 = tpu.memref_squeeze %dma_wait3A_343 : memref<1x1000xi32, #tpu.memory_space<vmem>> -> memref<1000xi32, #tpu.memory_space<vmem>>
      %dma_wait3A_345 = arith.constant 0 : i32
      %dma_wait3A_346 = arith.constant 0 : i32
      %dma_wait3A_347 = tpu.memref_slice %arg8[%dma_wait3A_345, %dma_wait3A_346] : memref<10240x32xf32, #tpu.memory_space<vmem_shared>> -> memref<10240x32xf32, #tpu.memory_space<vmem_shared>>
      tpu.wait_indirect_dma semaphore(%run_scoped3A_335 : memref<!tpu.dma_semaphore, #tpu.memory_space<semaphore_mem>>) src(%arg12 : memref<1000x32xf32, #tpu.memory_space<vmem>>) dst(%dma_wait3A_347 : memref<10240x32xf32, #tpu.memory_space<vmem_shared>>)
      tpu.yield
    }) : () -> ()
    %dma_wait3A_311 = arith.constant 3 : i32
    %dma_wait3A_312 = arith.constant 0 : i32
    %dma_wait3A_313 = tpu.memref_slice %arg10[%dma_wait3A_311, %dma_wait3A_312] : memref<5x1000xi32, #tpu.memory_space<vmem>> -> memref<1x1000xi32, #tpu.memory_space<vmem>>
    %dma_wait3A_314 = tpu.memref_squeeze %dma_wait3A_313 : memref<1x1000xi32, #tpu.memory_space<vmem>> -> memref<1000xi32, #tpu.memory_space<vmem>>
    %dma_wait3A_315 = arith.constant 0 : i32
    %dma_wait3A_316 = arith.constant 0 : i32
    %dma_wait3A_317 = tpu.memref_slice %arg7[%dma_wait3A_315, %dma_wait3A_316] : memref<10240x32xf32, #tpu.memory_space<vmem_shared>> -> memref<10240x32xf32, #tpu.memory_space<vmem_shared>>
    tpu.wait_indirect_dma semaphore(%arg18 : memref<!tpu.dma_semaphore, #tpu.memory_space<semaphore_mem>>) src(%dma_wait3A_317 : memref<10240x32xf32, #tpu.memory_space<vmem_shared>>) dst(%arg13 : memref<1000x32xf32, #tpu.memory_space<vmem>>)
    %dma_start3A_318 = arith.constant 4 : i32
    %dma_start3A_319 = arith.constant 0 : i32
    %dma_start3A_320 = tpu.memref_slice %arg10[%dma_start3A_318, %dma_start3A_319] : memref<5x1000xi32, #tpu.memory_space<vmem>> -> memref<1x1000xi32, #tpu.memory_space<vmem>>
    %dma_start3A_321 = tpu.memref_squeeze %dma_start3A_320 : memref<1x1000xi32, #tpu.memory_space<vmem>> -> memref<1000xi32, #tpu.memory_space<vmem>>
    %dma_start3A_322 = arith.constant 0 : i32
    %dma_start3A_323 = arith.constant 0 : i32
    %dma_start3A_324 = tpu.memref_slice %arg7[%dma_start3A_322, %dma_start3A_323] : memref<10240x32xf32, #tpu.memory_space<vmem_shared>> -> memref<10240x32xf32, #tpu.memory_space<vmem_shared>>
    tpu.enqueue_indirect_dma source(%dma_start3A_324 : memref<10240x32xf32, #tpu.memory_space<vmem_shared>>) target(%arg12 : memref<1000x32xf32, #tpu.memory_space<vmem>>) offsets(%dma_start3A_321 : memref<1000xi32, #tpu.memory_space<vmem>>) semaphore(%arg17 : memref<!tpu.dma_semaphore, #tpu.memory_space<semaphore_mem>>)
    %run_scoped3A_325 = arith.constant 3 : i32
    "tpu.region"() ({
      %run_scoped3A_335 = tpu.sem_alloc : memref<!tpu.dma_semaphore, #tpu.memory_space<semaphore_mem>>
      %dma_start3A_336 = arith.constant 0 : i32
      %dma_start3A_337 = tpu.memref_slice %arg11[%run_scoped3A_325, %dma_start3A_336] : memref<5x1000xi32, #tpu.memory_space<vmem>> -> memref<1x1000xi32, #tpu.memory_space<vmem>>
      %dma_start3A_338 = tpu.memref_squeeze %dma_start3A_337 : memref<1x1000xi32, #tpu.memory_space<vmem>> -> memref<1000xi32, #tpu.memory_space<vmem>>
      %dma_start3A_339 = arith.constant 0 : i32
      %dma_start3A_340 = arith.constant 0 : i32
      %dma_start3A_341 = tpu.memref_slice %arg8[%dma_start3A_339, %dma_start3A_340] : memref<10240x32xf32, #tpu.memory_space<vmem_shared>> -> memref<10240x32xf32, #tpu.memory_space<vmem_shared>>
      tpu.enqueue_indirect_dma source(%arg13 : memref<1000x32xf32, #tpu.memory_space<vmem>>) target(%dma_start3A_341 : memref<10240x32xf32, #tpu.memory_space<vmem_shared>>) offsets(%dma_start3A_338 : memref<1000xi32, #tpu.memory_space<vmem>>) semaphore(%run_scoped3A_335 : memref<!tpu.dma_semaphore, #tpu.memory_space<semaphore_mem>>) {add = true}
      %dma_wait3A_342 = arith.constant 0 : i32
      %dma_wait3A_343 = tpu.memref_slice %arg11[%run_scoped3A_325, %dma_wait3A_342] : memref<5x1000xi32, #tpu.memory_space<vmem>> -> memref<1x1000xi32, #tpu.memory_space<vmem>>
      %dma_wait3A_344 = tpu.memref_squeeze %dma_wait3A_343 : memref<1x1000xi32, #tpu.memory_space<vmem>> -> memref<1000xi32, #tpu.memory_space<vmem>>
      %dma_wait3A_345 = arith.constant 0 : i32
      %dma_wait3A_346 = arith.constant 0 : i32
      %dma_wait3A_347 = tpu.memref_slice %arg8[%dma_wait3A_345, %dma_wait3A_346] : memref<10240x32xf32, #tpu.memory_space<vmem_shared>> -> memref<10240x32xf32, #tpu.memory_space<vmem_shared>>
      tpu.wait_indirect_dma semaphore(%run_scoped3A_335 : memref<!tpu.dma_semaphore, #tpu.memory_space<semaphore_mem>>) src(%arg13 : memref<1000x32xf32, #tpu.memory_space<vmem>>) dst(%dma_wait3A_347 : memref<10240x32xf32, #tpu.memory_space<vmem_shared>>)
      tpu.yield
    }) : () -> ()
    %dma_wait3A_326 = arith.constant 4 : i32
    %dma_wait3A_327 = arith.constant 0 : i32
    %dma_wait3A_328 = tpu.memref_slice %arg10[%dma_wait3A_326, %dma_wait3A_327] : memref<5x1000xi32, #tpu.memory_space<vmem>> -> memref<1x1000xi32, #tpu.memory_space<vmem>>
    %dma_wait3A_329 = tpu.memref_squeeze %dma_wait3A_328 : memref<1x1000xi32, #tpu.memory_space<vmem>> -> memref<1000xi32, #tpu.memory_space<vmem>>
    %dma_wait3A_330 = arith.constant 0 : i32
    %dma_wait3A_331 = arith.constant 0 : i32
    %dma_wait3A_332 = tpu.memref_slice %arg7[%dma_wait3A_330, %dma_wait3A_331] : memref<10240x32xf32, #tpu.memory_space<vmem_shared>> -> memref<10240x32xf32, #tpu.memory_space<vmem_shared>>
    tpu.wait_indirect_dma semaphore(%arg17 : memref<!tpu.dma_semaphore, #tpu.memory_space<semaphore_mem>>) src(%dma_wait3A_332 : memref<10240x32xf32, #tpu.memory_space<vmem_shared>>) dst(%arg12 : memref<1000x32xf32, #tpu.memory_space<vmem>>)
    %run_scoped3A_333 = arith.constant 4 : i32
    "tpu.region"() ({
      %run_scoped3A_335 = tpu.sem_alloc : memref<!tpu.dma_semaphore, #tpu.memory_space<semaphore_mem>>
      %dma_start3A_336 = arith.constant 0 : i32
      %dma_start3A_337 = tpu.memref_slice %arg11[%run_scoped3A_333, %dma_start3A_336] : memref<5x1000xi32, #tpu.memory_space<vmem>> -> memref<1x1000xi32, #tpu.memory_space<vmem>>
      %dma_start3A_338 = tpu.memref_squeeze %dma_start3A_337 : memref<1x1000xi32, #tpu.memory_space<vmem>> -> memref<1000xi32, #tpu.memory_space<vmem>>
      %dma_start3A_339 = arith.constant 0 : i32
      %dma_start3A_340 = arith.constant 0 : i32
      %dma_start3A_341 = tpu.memref_slice %arg8[%dma_start3A_339, %dma_start3A_340] : memref<10240x32xf32, #tpu.memory_space<vmem_shared>> -> memref<10240x32xf32, #tpu.memory_space<vmem_shared>>
      tpu.enqueue_indirect_dma source(%arg12 : memref<1000x32xf32, #tpu.memory_space<vmem>>) target(%dma_start3A_341 : memref<10240x32xf32, #tpu.memory_space<vmem_shared>>) offsets(%dma_start3A_338 : memref<1000xi32, #tpu.memory_space<vmem>>) semaphore(%run_scoped3A_335 : memref<!tpu.dma_semaphore, #tpu.memory_space<semaphore_mem>>) {add = true}
      %dma_wait3A_342 = arith.constant 0 : i32
      %dma_wait3A_343 = tpu.memref_slice %arg11[%run_scoped3A_333, %dma_wait3A_342] : memref<5x1000xi32, #tpu.memory_space<vmem>> -> memref<1x1000xi32, #tpu.memory_space<vmem>>
      %dma_wait3A_344 = tpu.memref_squeeze %dma_wait3A_343 : memref<1x1000xi32, #tpu.memory_space<vmem>> -> memref<1000xi32, #tpu.memory_space<vmem>>
      %dma_wait3A_345 = arith.constant 0 : i32
      %dma_wait3A_346 = arith.constant 0 : i32
      %dma_wait3A_347 = tpu.memref_slice %arg8[%dma_wait3A_345, %dma_wait3A_346] : memref<10240x32xf32, #tpu.memory_space<vmem_shared>> -> memref<10240x32xf32, #tpu.memory_space<vmem_shared>>
      tpu.wait_indirect_dma semaphore(%run_scoped3A_335 : memref<!tpu.dma_semaphore, #tpu.memory_space<semaphore_mem>>) src(%arg12 : memref<1000x32xf32, #tpu.memory_space<vmem>>) dst(%dma_wait3A_347 : memref<10240x32xf32, #tpu.memory_space<vmem_shared>>)
      tpu.yield
    }) : () -> ()
    %barrier3A_334 = arith.constant 0 : index
    tpu.barrier barrier_id(%barrier3A_334)
    "tpu.region"() ({
      %run_scoped3A_335 = tpu.sem_alloc : memref<!tpu.dma_semaphore, #tpu.memory_space<semaphore_mem>>
      %dma_start3A_336 = arith.constant 0 : i32
      %dma_start3A_337 = tpu.memref_slice %arg5[%arg0, %mul3A_0, %dma_start3A_336] : memref<2x10240x32xf32, #tpu.memory_space<hbm>> -> memref<1x640x32xf32, #tpu.memory_space<hbm>>
      %dma_start3A_338 = tpu.memref_squeeze %dma_start3A_337 : memref<1x640x32xf32, #tpu.memory_space<hbm>> -> memref<640x32xf32, #tpu.memory_space<hbm>>
      %dma_start3A_339 = arith.constant 0 : i32
      %dma_start3A_340 = tpu.memref_slice %arg8[%mul3A_0, %dma_start3A_339] : memref<10240x32xf32, #tpu.memory_space<vmem_shared>> -> memref<640x32xf32, #tpu.memory_space<vmem_shared>>
      tpu.enqueue_dma source(%dma_start3A_340 : memref<640x32xf32, #tpu.memory_space<vmem_shared>>) target(%dma_start3A_338 : memref<640x32xf32, #tpu.memory_space<hbm>>) target_semaphore(%run_scoped3A_335 : memref<!tpu.dma_semaphore, #tpu.memory_space<semaphore_mem>>)
      %dma_wait3A_341 = arith.constant 0 : i32
      %dma_wait3A_342 = tpu.memref_slice %arg5[%arg0, %mul3A_0, %dma_wait3A_341] : memref<2x10240x32xf32, #tpu.memory_space<hbm>> -> memref<1x640x32xf32, #tpu.memory_space<hbm>>
      %dma_wait3A_343 = tpu.memref_squeeze %dma_wait3A_342 : memref<1x640x32xf32, #tpu.memory_space<hbm>> -> memref<640x32xf32, #tpu.memory_space<hbm>>
      %dma_wait3A_344 = arith.constant 0 : i32
      %dma_wait3A_345 = tpu.memref_slice %arg8[%mul3A_0, %dma_wait3A_344] : memref<10240x32xf32, #tpu.memory_space<vmem_shared>> -> memref<640x32xf32, #tpu.memory_space<vmem_shared>>
      tpu.wait_dma2 semaphore(%run_scoped3A_335 : memref<!tpu.dma_semaphore, #tpu.memory_space<semaphore_mem>>) src(%dma_wait3A_345 : memref<640x32xf32, #tpu.memory_space<vmem_shared>>) dst(%dma_wait3A_343 : memref<640x32xf32, #tpu.memory_space<hbm>>)
      tpu.yield
    }) : () -> ()
    return
  }
}

module attributes {stable_mosaic.version = 14 : i64} {
  func.func @_tc1_body(%arg0: i32, %arg1: memref<2048x128xf32, #tpu.memory_space<vmem>>, %arg2: memref<128x32xf32, #tpu.memory_space<vmem>>, %arg3: memref<1x32xf32, #tpu.memory_space<vmem>>, %arg4: memref<32x32xf32, #tpu.memory_space<vmem>>, %arg5: memref<1x32xf32, #tpu.memory_space<vmem>>, %arg6: memref<32x32xf32, #tpu.memory_space<vmem>>, %arg7: memref<2048x32xf32, #tpu.memory_space<vmem>>, %arg8: memref<2048x32xf32, #tpu.memory_space<vmem>>) attributes {dimension_semantics = [#tpu.dimension_semantics<arbitrary>], iteration_bounds = array<i64: 5>, scalar_prefetch = 0 : i64, scratch_operands = 0 : i64, tpu.core_type = #tpu.core_type<tc>, window_params = [{transform_indices = @transform_0, window_bounds = array<i64: 2048, 128>}, {pipeline_mode = #tpu.pipeline_mode<synchronous>, transform_indices = @transform_1, window_bounds = array<i64: 128, 32>}, {pipeline_mode = #tpu.pipeline_mode<synchronous>, transform_indices = @transform_2, window_bounds = array<i64: 1, 32>}, {pipeline_mode = #tpu.pipeline_mode<synchronous>, transform_indices = @transform_3, window_bounds = array<i64: 32, 32>}, {pipeline_mode = #tpu.pipeline_mode<synchronous>, transform_indices = @transform_4, window_bounds = array<i64: 1, 32>}, {pipeline_mode = #tpu.pipeline_mode<synchronous>, transform_indices = @transform_5, window_bounds = array<i64: 32, 32>}, {transform_indices = @transform_6, window_bounds = array<i64: 2048, 32>}, {transform_indices = @transform_7, window_bounds = array<i64: 2048, 32>}]} {
    %get3A = arith.constant 0 : index
    %get3A_0 = arith.constant 0 : index
    %get3A_1 = vector.load %arg1[%get3A, %get3A_0] : memref<2048x128xf32, #tpu.memory_space<vmem>>, vector<2048x128xf32>
    %get3A_2 = arith.constant 0 : index
    %get3A_3 = arith.constant 0 : index
    %get3A_4 = vector.load %arg2[%get3A_2, %get3A_3] : memref<128x32xf32, #tpu.memory_space<vmem>>, vector<128x32xf32>
    %dot_general3A = arith.constant dense<0.000000e+00> : vector<2048x32xf32>
    %dot_general3A_5 = tpu.matmul %get3A_1, %get3A_4, %dot_general3A {dimension_numbers = #tpu.dot_dimension_numbers<[1], [0], [0], [1], [0, 0, 1, 1], [], []>, transpose_lhs_hint = false} : vector<2048x128xf32>, vector<128x32xf32>, vector<2048x32xf32> -> vector<2048x32xf32>
    %get3A_6 = arith.constant 0 : index
    %get3A_7 = arith.constant 0 : index
    %get3A_8 = vector.load %arg3[%get3A_6, %get3A_7] : memref<1x32xf32, #tpu.memory_space<vmem>>, vector<1x32xf32>
    %add3A = vector.broadcast %get3A_8 : vector<1x32xf32> to vector<2048x32xf32>
    %add3A_9 = arith.addf %dot_general3A_5, %add3A : vector<2048x32xf32>
    %max3A = arith.constant 0.000000e+00 : f32
    %max3A_10 = vector.broadcast %max3A : f32 to vector<2048x32xf32>
    %max3A_11 = arith.maximumf %add3A_9, %max3A_10 : vector<2048x32xf32>
    %get3A_12 = arith.constant 0 : index
    %get3A_13 = arith.constant 0 : index
    %get3A_14 = vector.load %arg4[%get3A_12, %get3A_13] : memref<32x32xf32, #tpu.memory_space<vmem>>, vector<32x32xf32>
    %dot_general3A_15 = arith.constant dense<0.000000e+00> : vector<2048x32xf32>
    %dot_general3A_16 = tpu.matmul %max3A_11, %get3A_14, %dot_general3A_15 {dimension_numbers = #tpu.dot_dimension_numbers<[1], [0], [0], [1], [0, 0, 1, 1], [], []>, transpose_lhs_hint = false} : vector<2048x32xf32>, vector<32x32xf32>, vector<2048x32xf32> -> vector<2048x32xf32>
    %get3A_17 = arith.constant 0 : index
    %get3A_18 = arith.constant 0 : index
    %get3A_19 = vector.load %arg5[%get3A_17, %get3A_18] : memref<1x32xf32, #tpu.memory_space<vmem>>, vector<1x32xf32>
    %add3A_20 = vector.broadcast %get3A_19 : vector<1x32xf32> to vector<2048x32xf32>
    %add3A_21 = arith.addf %dot_general3A_16, %add3A_20 : vector<2048x32xf32>
    %max3A_22 = arith.constant 0.000000e+00 : f32
    %max3A_23 = vector.broadcast %max3A_22 : f32 to vector<2048x32xf32>
    %max3A_24 = arith.maximumf %add3A_21, %max3A_23 : vector<2048x32xf32>
    %swap3A = arith.constant 0 : index
    %swap3A_25 = arith.constant 0 : index
    %swap3A_26 = vector.load %arg7[%swap3A, %swap3A_25] : memref<2048x32xf32, #tpu.memory_space<vmem>>, vector<2048x32xf32>
    tpu.vector_store %arg7[%swap3A, %swap3A_25], %max3A_24 {strides = array<i32>} : memref<2048x32xf32, #tpu.memory_space<vmem>>, vector<2048x32xf32>,
    %get3A_27 = arith.constant 0 : index
    %get3A_28 = arith.constant 0 : index
    %get3A_29 = vector.load %arg6[%get3A_27, %get3A_28] : memref<32x32xf32, #tpu.memory_space<vmem>>, vector<32x32xf32>
    %dot_general3A_30 = arith.constant dense<0.000000e+00> : vector<2048x32xf32>
    %dot_general3A_31 = tpu.matmul %max3A_24, %get3A_29, %dot_general3A_30 {dimension_numbers = #tpu.dot_dimension_numbers<[1], [0], [0], [1], [0, 0, 1, 1], [], []>, transpose_lhs_hint = false} : vector<2048x32xf32>, vector<32x32xf32>, vector<2048x32xf32> -> vector<2048x32xf32>
    %swap3A_32 = arith.constant 0 : index
    %swap3A_33 = arith.constant 0 : index
    %swap3A_34 = vector.load %arg8[%swap3A_32, %swap3A_33] : memref<2048x32xf32, #tpu.memory_space<vmem>>, vector<2048x32xf32>
    tpu.vector_store %arg8[%swap3A_32, %swap3A_33], %dot_general3A_31 {strides = array<i32>} : memref<2048x32xf32, #tpu.memory_space<vmem>>, vector<2048x32xf32>,
    return
  }
  func.func @transform_0(%arg0: i32) -> (i32, i32) {
    %c0_i32 = arith.constant 0 : i32
    %c0_i32_0 = arith.constant 0 : i32
    return %arg0, %c0_i32 : i32, i32
  }
  func.func @transform_1(%arg0: i32) -> (i32, i32) {
    %c0_i32 = arith.constant 0 : i32
    %c0_i32_0 = arith.constant 0 : i32
    %c0_i32_1 = arith.constant 0 : i32
    return %c0_i32, %c0_i32_0 : i32, i32
  }
  func.func @transform_2(%arg0: i32) -> (i32, i32) {
    %c0_i32 = arith.constant 0 : i32
    %c0_i32_0 = arith.constant 0 : i32
    %c0_i32_1 = arith.constant 0 : i32
    return %c0_i32, %c0_i32_0 : i32, i32
  }
  func.func @transform_3(%arg0: i32) -> (i32, i32) {
    %c0_i32 = arith.constant 0 : i32
    %c0_i32_0 = arith.constant 0 : i32
    %c0_i32_1 = arith.constant 0 : i32
    return %c0_i32, %c0_i32_0 : i32, i32
  }
  func.func @transform_4(%arg0: i32) -> (i32, i32) {
    %c0_i32 = arith.constant 0 : i32
    %c0_i32_0 = arith.constant 0 : i32
    %c0_i32_1 = arith.constant 0 : i32
    return %c0_i32, %c0_i32_0 : i32, i32
  }
  func.func @transform_5(%arg0: i32) -> (i32, i32) {
    %c0_i32 = arith.constant 0 : i32
    %c0_i32_0 = arith.constant 0 : i32
    %c0_i32_1 = arith.constant 0 : i32
    return %c0_i32, %c0_i32_0 : i32, i32
  }
  func.func @transform_6(%arg0: i32) -> (i32, i32) {
    %c0_i32 = arith.constant 0 : i32
    %c0_i32_0 = arith.constant 0 : i32
    return %arg0, %c0_i32 : i32, i32
  }
  func.func @transform_7(%arg0: i32) -> (i32, i32) {
    %c0_i32 = arith.constant 0 : i32
    %c0_i32_0 = arith.constant 0 : i32
    return %arg0, %c0_i32 : i32, i32
  }
}

module attributes {stable_mosaic.version = 14 : i64} {
  func.func @_tc2_body(%arg0: i32, %arg1: memref<2x2048x32xf32, #tpu.memory_space<vmem>>, %arg2: memref<2048x1xf32, #tpu.memory_space<vmem>>, %arg3: memref<2048x32xf32, #tpu.memory_space<vmem>>, %arg4: memref<2048x32xf32, #tpu.memory_space<vmem>>, %arg5: memref<1x32xf32, #tpu.memory_space<vmem>>, %arg6: memref<32x32xf32, #tpu.memory_space<vmem>>, %arg7: memref<1x32xf32, #tpu.memory_space<vmem>>, %arg8: memref<32x32xf32, #tpu.memory_space<vmem>>, %arg9: memref<32x32xf32, #tpu.memory_space<vmem>>, %arg10: memref<1x32xf32, #tpu.memory_space<vmem>>, %arg11: memref<32x32xf32, #tpu.memory_space<vmem>>, %arg12: memref<1x32xf32, #tpu.memory_space<vmem>>, %arg13: memref<32x2xf32, #tpu.memory_space<vmem>>, %arg14: memref<1x2xf32, #tpu.memory_space<vmem>>, %arg15: memref<2048x2xf32, #tpu.memory_space<vmem>>) attributes {dimension_semantics = [#tpu.dimension_semantics<arbitrary>], iteration_bounds = array<i64: 5>, scalar_prefetch = 0 : i64, scratch_operands = 0 : i64, tpu.core_type = #tpu.core_type<tc>, window_params = [{transform_indices = @transform_0, window_bounds = array<i64: 2, 2048, 32>}, {transform_indices = @transform_1, window_bounds = array<i64: 2048, 1>}, {transform_indices = @transform_2, window_bounds = array<i64: 2048, 32>}, {transform_indices = @transform_3, window_bounds = array<i64: 2048, 32>}, {pipeline_mode = #tpu.pipeline_mode<synchronous>, transform_indices = @transform_4, window_bounds = array<i64: 1, 32>}, {pipeline_mode = #tpu.pipeline_mode<synchronous>, transform_indices = @transform_5, window_bounds = array<i64: 32, 32>}, {pipeline_mode = #tpu.pipeline_mode<synchronous>, transform_indices = @transform_6, window_bounds = array<i64: 1, 32>}, {pipeline_mode = #tpu.pipeline_mode<synchronous>, transform_indices = @transform_7, window_bounds = array<i64: 32, 32>}, {pipeline_mode = #tpu.pipeline_mode<synchronous>, transform_indices = @transform_8, window_bounds = array<i64: 32, 32>}, {pipeline_mode = #tpu.pipeline_mode<synchronous>, transform_indices = @transform_9, window_bounds = array<i64: 1, 32>}, {pipeline_mode = #tpu.pipeline_mode<synchronous>, transform_indices = @transform_10, window_bounds = array<i64: 32, 32>}, {pipeline_mode = #tpu.pipeline_mode<synchronous>, transform_indices = @transform_11, window_bounds = array<i64: 1, 32>}, {pipeline_mode = #tpu.pipeline_mode<synchronous>, transform_indices = @transform_12, window_bounds = array<i64: 32, 2>}, {pipeline_mode = #tpu.pipeline_mode<synchronous>, transform_indices = @transform_13, window_bounds = array<i64: 1, 2>}, {transform_indices = @transform_14, window_bounds = array<i64: 2048, 2>}]} {
    %get3A = arith.constant 0 : index
    %get3A_0 = arith.constant 0 : index
    %get3A_1 = arith.constant 0 : index
    %get3A_2 = vector.load %arg1[%get3A, %get3A_0, %get3A_1] : memref<2x2048x32xf32, #tpu.memory_space<vmem>>, vector<1x2048x32xf32>
    %get3A_3 = vector.shape_cast %get3A_2 : vector<1x2048x32xf32> to vector<2048x32xf32>
    %get3A_4 = arith.constant 1 : index
    %get3A_5 = arith.constant 0 : index
    %get3A_6 = arith.constant 0 : index
    %get3A_7 = vector.load %arg1[%get3A_4, %get3A_5, %get3A_6] : memref<2x2048x32xf32, #tpu.memory_space<vmem>>, vector<1x2048x32xf32>
    %get3A_8 = vector.shape_cast %get3A_7 : vector<1x2048x32xf32> to vector<2048x32xf32>
    %add3A = arith.addf %get3A_3, %get3A_8 : vector<2048x32xf32>
    %get3A_9 = arith.constant 0 : index
    %get3A_10 = arith.constant 0 : index
    %get3A_11 = vector.load %arg2[%get3A_9, %get3A_10] : memref<2048x1xf32, #tpu.memory_space<vmem>>, vector<2048x1xf32>
    %get3A_12 = arith.constant 0 : index
    %get3A_13 = arith.constant 0 : index
    %get3A_14 = vector.load %arg3[%get3A_12, %get3A_13] : memref<2048x32xf32, #tpu.memory_space<vmem>>, vector<2048x32xf32>
    %mul3A = vector.broadcast %get3A_11 : vector<2048x1xf32> to vector<2048x32xf32>
    %mul3A_15 = arith.mulf %mul3A, %get3A_14 : vector<2048x32xf32>
    %add3A_16 = arith.addf %add3A, %mul3A_15 : vector<2048x32xf32>
    %mul3A_17 = vector.broadcast %get3A_11 : vector<2048x1xf32> to vector<2048x32xf32>
    %mul3A_18 = arith.mulf %mul3A_17, %add3A_16 : vector<2048x32xf32>
    %get3A_19 = arith.constant 0 : index
    %get3A_20 = arith.constant 0 : index
    %get3A_21 = vector.load %arg5[%get3A_19, %get3A_20] : memref<1x32xf32, #tpu.memory_space<vmem>>, vector<1x32xf32>
    %add3A_22 = vector.broadcast %get3A_21 : vector<1x32xf32> to vector<2048x32xf32>
    %add3A_23 = arith.addf %mul3A_18, %add3A_22 : vector<2048x32xf32>
    %max3A = arith.constant 0.000000e+00 : f32
    %max3A_24 = vector.broadcast %max3A : f32 to vector<2048x32xf32>
    %max3A_25 = arith.maximumf %add3A_23, %max3A_24 : vector<2048x32xf32>
    %get3A_26 = arith.constant 0 : index
    %get3A_27 = arith.constant 0 : index
    %get3A_28 = vector.load %arg6[%get3A_26, %get3A_27] : memref<32x32xf32, #tpu.memory_space<vmem>>, vector<32x32xf32>
    %dot_general3A = arith.constant dense<0.000000e+00> : vector<2048x32xf32>
    %dot_general3A_29 = tpu.matmul %max3A_25, %get3A_28, %dot_general3A {dimension_numbers = #tpu.dot_dimension_numbers<[1], [0], [0], [1], [0, 0, 1, 1], [], []>, transpose_lhs_hint = false} : vector<2048x32xf32>, vector<32x32xf32>, vector<2048x32xf32> -> vector<2048x32xf32>
    %get3A_30 = arith.constant 0 : index
    %get3A_31 = arith.constant 0 : index
    %get3A_32 = vector.load %arg7[%get3A_30, %get3A_31] : memref<1x32xf32, #tpu.memory_space<vmem>>, vector<1x32xf32>
    %add3A_33 = vector.broadcast %get3A_32 : vector<1x32xf32> to vector<2048x32xf32>
    %add3A_34 = arith.addf %dot_general3A_29, %add3A_33 : vector<2048x32xf32>
    %max3A_35 = arith.constant 0.000000e+00 : f32
    %max3A_36 = vector.broadcast %max3A_35 : f32 to vector<2048x32xf32>
    %max3A_37 = arith.maximumf %add3A_34, %max3A_36 : vector<2048x32xf32>
    %get3A_38 = arith.constant 0 : index
    %get3A_39 = arith.constant 0 : index
    %get3A_40 = vector.load %arg8[%get3A_38, %get3A_39] : memref<32x32xf32, #tpu.memory_space<vmem>>, vector<32x32xf32>
    %dot_general3A_41 = arith.constant dense<0.000000e+00> : vector<2048x32xf32>
    %dot_general3A_42 = tpu.matmul %max3A_37, %get3A_40, %dot_general3A_41 {dimension_numbers = #tpu.dot_dimension_numbers<[1], [0], [0], [1], [0, 0, 1, 1], [], []>, transpose_lhs_hint = false} : vector<2048x32xf32>, vector<32x32xf32>, vector<2048x32xf32> -> vector<2048x32xf32>
    %get3A_43 = arith.constant 0 : index
    %get3A_44 = arith.constant 0 : index
    %get3A_45 = vector.load %arg4[%get3A_43, %get3A_44] : memref<2048x32xf32, #tpu.memory_space<vmem>>, vector<2048x32xf32>
    %get3A_46 = arith.constant 0 : index
    %get3A_47 = arith.constant 0 : index
    %get3A_48 = vector.load %arg9[%get3A_46, %get3A_47] : memref<32x32xf32, #tpu.memory_space<vmem>>, vector<32x32xf32>
    %dot_general3A_49 = arith.constant dense<0.000000e+00> : vector<2048x32xf32>
    %dot_general3A_50 = tpu.matmul %get3A_45, %get3A_48, %dot_general3A_49 {dimension_numbers = #tpu.dot_dimension_numbers<[1], [0], [0], [1], [0, 0, 1, 1], [], []>, transpose_lhs_hint = false} : vector<2048x32xf32>, vector<32x32xf32>, vector<2048x32xf32> -> vector<2048x32xf32>
    %add3A_51 = arith.addf %dot_general3A_42, %dot_general3A_50 : vector<2048x32xf32>
    %get3A_52 = arith.constant 0 : index
    %get3A_53 = arith.constant 0 : index
    %get3A_54 = vector.load %arg10[%get3A_52, %get3A_53] : memref<1x32xf32, #tpu.memory_space<vmem>>, vector<1x32xf32>
    %add3A_55 = vector.broadcast %get3A_54 : vector<1x32xf32> to vector<2048x32xf32>
    %add3A_56 = arith.addf %add3A_51, %add3A_55 : vector<2048x32xf32>
    %max3A_57 = arith.constant 0.000000e+00 : f32
    %max3A_58 = vector.broadcast %max3A_57 : f32 to vector<2048x32xf32>
    %max3A_59 = arith.maximumf %add3A_56, %max3A_58 : vector<2048x32xf32>
    %get3A_60 = arith.constant 0 : index
    %get3A_61 = arith.constant 0 : index
    %get3A_62 = vector.load %arg11[%get3A_60, %get3A_61] : memref<32x32xf32, #tpu.memory_space<vmem>>, vector<32x32xf32>
    %dot_general3A_63 = arith.constant dense<0.000000e+00> : vector<2048x32xf32>
    %dot_general3A_64 = tpu.matmul %max3A_59, %get3A_62, %dot_general3A_63 {dimension_numbers = #tpu.dot_dimension_numbers<[1], [0], [0], [1], [0, 0, 1, 1], [], []>, transpose_lhs_hint = false} : vector<2048x32xf32>, vector<32x32xf32>, vector<2048x32xf32> -> vector<2048x32xf32>
    %get3A_65 = arith.constant 0 : index
    %get3A_66 = arith.constant 0 : index
    %get3A_67 = vector.load %arg12[%get3A_65, %get3A_66] : memref<1x32xf32, #tpu.memory_space<vmem>>, vector<1x32xf32>
    %add3A_68 = vector.broadcast %get3A_67 : vector<1x32xf32> to vector<2048x32xf32>
    %add3A_69 = arith.addf %dot_general3A_64, %add3A_68 : vector<2048x32xf32>
    %max3A_70 = arith.constant 0.000000e+00 : f32
    %max3A_71 = vector.broadcast %max3A_70 : f32 to vector<2048x32xf32>
    %max3A_72 = arith.maximumf %add3A_69, %max3A_71 : vector<2048x32xf32>
    %get3A_73 = arith.constant 0 : index
    %get3A_74 = arith.constant 0 : index
    %get3A_75 = vector.load %arg13[%get3A_73, %get3A_74] : memref<32x2xf32, #tpu.memory_space<vmem>>, vector<32x2xf32>
    %dot_general3A_76 = arith.constant dense<0.000000e+00> : vector<2048x2xf32>
    %dot_general3A_77 = tpu.matmul %max3A_72, %get3A_75, %dot_general3A_76 {dimension_numbers = #tpu.dot_dimension_numbers<[1], [0], [0], [1], [0, 0, 1, 1], [], []>, transpose_lhs_hint = false} : vector<2048x32xf32>, vector<32x2xf32>, vector<2048x2xf32> -> vector<2048x2xf32>
    %get3A_78 = arith.constant 0 : index
    %get3A_79 = arith.constant 0 : index
    %get3A_80 = vector.load %arg14[%get3A_78, %get3A_79] : memref<1x2xf32, #tpu.memory_space<vmem>>, vector<1x2xf32>
    %add3A_81 = vector.broadcast %get3A_80 : vector<1x2xf32> to vector<2048x2xf32>
    %add3A_82 = arith.addf %dot_general3A_77, %add3A_81 : vector<2048x2xf32>
    %tanh3A = math.tanh %add3A_82 : vector<2048x2xf32>
    %swap3A = arith.constant 0 : index
    %swap3A_83 = arith.constant 0 : index
    %swap3A_84 = vector.load %arg15[%swap3A, %swap3A_83] : memref<2048x2xf32, #tpu.memory_space<vmem>>, vector<2048x2xf32>
    tpu.vector_store %arg15[%swap3A, %swap3A_83], %tanh3A {strides = array<i32>} : memref<2048x2xf32, #tpu.memory_space<vmem>>, vector<2048x2xf32>,
    return
  }
  func.func @transform_0(%arg0: i32) -> (i32, i32, i32) {
    %c0_i32 = arith.constant 0 : i32
    %c0_i32_0 = arith.constant 0 : i32
    %c0_i32_1 = arith.constant 0 : i32
    return %c0_i32, %arg0, %c0_i32_0 : i32, i32, i32
  }
  func.func @transform_1(%arg0: i32) -> (i32, i32) {
    %c0_i32 = arith.constant 0 : i32
    %c0_i32_0 = arith.constant 0 : i32
    return %arg0, %c0_i32 : i32, i32
  }
  func.func @transform_2(%arg0: i32) -> (i32, i32) {
    %c0_i32 = arith.constant 0 : i32
    %c0_i32_0 = arith.constant 0 : i32
    return %arg0, %c0_i32 : i32, i32
  }
  func.func @transform_3(%arg0: i32) -> (i32, i32) {
    %c0_i32 = arith.constant 0 : i32
    %c0_i32_0 = arith.constant 0 : i32
    return %arg0, %c0_i32 : i32, i32
  }
  func.func @transform_4(%arg0: i32) -> (i32, i32) {
    %c0_i32 = arith.constant 0 : i32
    %c0_i32_0 = arith.constant 0 : i32
    %c0_i32_1 = arith.constant 0 : i32
    return %c0_i32, %c0_i32_0 : i32, i32
  }
  func.func @transform_5(%arg0: i32) -> (i32, i32) {
    %c0_i32 = arith.constant 0 : i32
    %c0_i32_0 = arith.constant 0 : i32
    %c0_i32_1 = arith.constant 0 : i32
    return %c0_i32, %c0_i32_0 : i32, i32
  }
  func.func @transform_6(%arg0: i32) -> (i32, i32) {
    %c0_i32 = arith.constant 0 : i32
    %c0_i32_0 = arith.constant 0 : i32
    %c0_i32_1 = arith.constant 0 : i32
    return %c0_i32, %c0_i32_0 : i32, i32
  }
  func.func @transform_7(%arg0: i32) -> (i32, i32) {
    %c0_i32 = arith.constant 0 : i32
    %c0_i32_0 = arith.constant 0 : i32
    %c0_i32_1 = arith.constant 0 : i32
    return %c0_i32, %c0_i32_0 : i32, i32
  }
  func.func @transform_8(%arg0: i32) -> (i32, i32) {
    %c0_i32 = arith.constant 0 : i32
    %c0_i32_0 = arith.constant 0 : i32
    %c0_i32_1 = arith.constant 0 : i32
    return %c0_i32, %c0_i32_0 : i32, i32
  }
  func.func @transform_9(%arg0: i32) -> (i32, i32) {
    %c0_i32 = arith.constant 0 : i32
    %c0_i32_0 = arith.constant 0 : i32
    %c0_i32_1 = arith.constant 0 : i32
    return %c0_i32, %c0_i32_0 : i32, i32
  }
  func.func @transform_10(%arg0: i32) -> (i32, i32) {
    %c0_i32 = arith.constant 0 : i32
    %c0_i32_0 = arith.constant 0 : i32
    %c0_i32_1 = arith.constant 0 : i32
    return %c0_i32, %c0_i32_0 : i32, i32
  }
  func.func @transform_11(%arg0: i32) -> (i32, i32) {
    %c0_i32 = arith.constant 0 : i32
    %c0_i32_0 = arith.constant 0 : i32
    %c0_i32_1 = arith.constant 0 : i32
    return %c0_i32, %c0_i32_0 : i32, i32
  }
  func.func @transform_12(%arg0: i32) -> (i32, i32) {
    %c0_i32 = arith.constant 0 : i32
    %c0_i32_0 = arith.constant 0 : i32
    %c0_i32_1 = arith.constant 0 : i32
    return %c0_i32, %c0_i32_0 : i32, i32
  }
  func.func @transform_13(%arg0: i32) -> (i32, i32) {
    %c0_i32 = arith.constant 0 : i32
    %c0_i32_0 = arith.constant 0 : i32
    %c0_i32_1 = arith.constant 0 : i32
    return %c0_i32, %c0_i32_0 : i32, i32
  }
  func.func @transform_14(%arg0: i32) -> (i32, i32) {
    %c0_i32 = arith.constant 0 : i32
    %c0_i32_0 = arith.constant 0 : i32
    return %arg0, %c0_i32 : i32, i32
  }
}

</mosaic_0001>

<sc_bundles>
// kernel: kernel.5.cloned.1.call-start
scs
__scs_entry_jumppad:
0x0: {  	(pc) =	sbr.rel $0x88, $3  }
0x1: {  	(tag) =	ssettag $0x0;
	lr =	simm.s32 $0x1  }
0x2: {  	[smem:$0x3F91] =	sst lr;
	_ =	strace $0xD0000000  }
0x3: {  	_ = 	snop  }
0x4: {  	_ = 	snop  }
0x5: {  	_ = 	snop  }
0x6: {  	_ = 	snop  }
0x7: {  	_ = 	snop  }
__scs_overlays_trampoline_lowered:
0x8: {  	[smem:$0x3FA0] =	sst s0  }
0x9: {  	[smem:$0x3FA1] =	sst s1  }
0xa: {  	[smem:$0x3FA2] =	sst s2  }
0xb: {  	[smem:$0x3FA3] =	sst s3  }
0xc: {  	[smem:$0x3FA4] =	sst s4  }
0xd: {  	[smem:$0x3FA5] =	sst s5  }
0xe: {  	[smem:$0x3FA6] =	sst s6  }
0xf: {  	[smem:$0x3FA7] =	sst s7  }
0x10: {  	[smem:$0x3FA8] =	sst s8  }
0x11: {  	[smem:$0x3FA9] =	sst s9;
	s0 =	simm.s32 @!p0 $0x0  }
0x12: {  	s1 =	sld [smem:$0x3F8F];
	s0 =	simm.s32 @p0 $0x1  }
0x13: {  	[smem:$0x3FAA] =	sst s0;
	s0 =	simm.s32 @!p1 $0x0  }
0x14: {  	s2 =	sld [smem:$0x3F8E];
	s0 =	simm.s32 @p1 $0x1  }
0x15: {  	[smem:$0x3FAB] =	sst s0;
	s0 =	simm.s32 @!p2 $0x0  }
0x16: {  	s3 =	sld [smem:$0x3FDB];
	s0 =	simm.s32 @p2 $0x1  }
0x17: {  	s4 =	simm.s32 $0x1BF5;
	[smem:$0x3FAD] =	sst s0  }
0x18: {  	s0 =	sld [smem:$0x3F90];
	_ =	swait.ge [sflag:s4], $0x0  }
0x19: {  	s7 =	sld [smem:$0x3F91]  }
0x1a: {  	s8 =	sadd.s32 $0xFFFFE003, lr  }
0x1b: {  	s9 =	sadd.s32 $0xFFFFFEF7, lr;
	s5 =	simm.s32 $0xFFFFFFFF;
	p2 =	slt.u32 s8, $0xFFFFF086  }
0x1c: {  	p1 =	slt.u32 s9, $0xF7A;
	s5 =	simm.s32 @!p2 $0x0  }
0x1d: {  	s5 =	simm.s32 @p1 $0x1;
	p0 =	seq.s32 s7, s2  }
0x1e: {  	s7 =	smul.u32 @!p0 $0xF7A, s2;
	p2 =	seq.s32 @!p0 s5, $0x0  }
0x1f: {  	s9 =	smul.u32 $0xF7A, s1;
	s8 =	simm.s32 @!p0 $0x1BF5;
	p2 =	por !p2, p0  }
0x20: {  	[sflag:s8] =	ssyncset.s32 @!p0 $0xFFFFF086;
	s6 =	sadd.s32 @!p0 s3, s7;
	s7 =	simm.s32 @!p0 $0x108  }
0x21: {  	s3 =	sadd.s32 s3, s9;
	s6 =	sadd.s32 @!p0 $0x88, s6;
	s7 =	simm.s32 @p2 $0x1082  }
0x22: {  	[simem:s7], [sflag:s8] =	dma.local @!p0 [hbm:s6], $0xF7A  }
0x23: {  	s9 =	sor.u32 $0xD0000000, s2;
	s6 =	simm.s32 $0x108;
	_ =	swait.ge @!p0 [sflag:s8], $0x0  }
0x24: {  	s3 =	sadd.s32 $0x88, s3;
	s6 =	simm.s32 @!p1 $0x1082;
	[sflag:s4] =	ssyncset.s32 $0xFFFFF086  }
0x25: {  	[simem:s6], [sflag:s4] =	dma.local [hbm:s3], $0xF7A  }
0x26: {  	[smem:$0x3F91] =	sst s1;
	(tag) =	ssettag s2;
	_ =	strace s9  }
0x27: {  	s1 =	sld [smem:$0x3FA1]  }
0x28: {  	s2 =	sld [smem:$0x3FA2]  }
0x29: {  	s4 =	sld [smem:$0x3FA4]  }
0x2a: {  	p0 =	seq.s32 s5, $0x0;
	s5 =	sld [smem:$0x3FA5]  }
0x2b: {  	s6 =	sld [smem:$0x3FA6]  }
0x2c: {  	s7 =	sld [smem:$0x3FA7]  }
0x2d: {  	s3 =	simm.s32 $0x108;
	s8 =	sld [smem:$0x3FA8]  }
0x2e: {  	s3 =	simm.s32 @!p0 $0x1082;
	s9 =	sld [smem:$0x3FA9]  }
0x2f: {  	lr =	sadd.s32 s0, s3;
	s0 =	sld [smem:$0x3FA0]  }
0x30: {  	s3 =	sld [smem:$0x3FA3]  }
0x31: {  	[smem:$0x3FAC] =	sst s10  }
0x32: {  	s10 =	sld [smem:$0x3FAA];
	_ =	sdelay $0x3  }
0x33: {  	p0 =	seq.s32 s10, $0x1;
	s10 =	sld [smem:$0x3FAC];
	_ =	sdelay $0x3  }
0x34: {  	[smem:$0x3FAC] =	sst s10  }
0x35: {  	s10 =	sld [smem:$0x3FAB];
	_ =	sdelay $0x3  }
0x36: {  	p1 =	seq.s32 s10, $0x1;
	s10 =	sld [smem:$0x3FAC];
	_ =	sdelay $0x3  }
0x37: {  	[smem:$0x3FAC] =	sst s10  }
0x38: {  	s10 =	sld [smem:$0x3FAD]  }
0x39: {  	_ = 	snop;
	(pc) =	sbr.ind lr, $3  }
0x3a: {  	_ = 	snop  }
0x3b: {  	_ = 	snop  }
0x3c: {  	p2 =	seq.s32 s10, $0x1;
	s10 =	sld [smem:$0x3FAC]  }
0x3d: {  	_ =	shalt  }
0x3e: {  	_ =	shalt  }
0x3f: {  	_ =	shalt  }
0x40: {  	_ =	shalt  }
0x41: {  	_ =	shalt  }
0x42: {  	_ =	shalt  }
0x43: {  	_ =	shalt  }
0x44: {  	_ =	shalt  }
0x45: {  	_ =	shalt  }
0x46: {  	_ =	shalt  }
0x47: {  	_ =	shalt  }
0x48: {  	_ =	shalt  }
0x49: {  	_ =	shalt  }
0x4a: {  	_ =	shalt  }
0x4b: {  	_ =	shalt  }
0x4c: {  	_ =	shalt  }
0x4d: {  	_ =	shalt  }
0x4e: {  	_ =	shalt  }
0x4f: {  	_ =	shalt  }
0x50: {  	_ =	shalt  }
0x51: {  	_ =	shalt  }
0x52: {  	_ =	shalt  }
0x53: {  	_ =	shalt  }
0x54: {  	_ =	shalt  }
0x55: {  	_ =	shalt  }
0x56: {  	_ =	shalt  }
0x57: {  	_ =	shalt  }
0x58: {  	_ =	shalt  }
0x59: {  	_ =	shalt  }
0x5a: {  	_ =	shalt  }
0x5b: {  	_ =	shalt  }
0x5c: {  	_ =	shalt  }
0x5d: {  	_ =	shalt  }
0x5e: {  	_ =	shalt  }
0x5f: {  	_ =	shalt  }
0x60: {  	_ =	shalt  }
0x61: {  	_ =	shalt  }
0x62: {  	_ =	shalt  }
0x63: {  	_ =	shalt  }
0x64: {  	_ =	shalt  }
0x65: {  	_ =	shalt  }
0x66: {  	_ =	shalt  }
0x67: {  	_ =	shalt  }
0x68: {  	_ =	shalt  }
0x69: {  	_ =	shalt  }
0x6a: {  	_ =	shalt  }
0x6b: {  	_ =	shalt  }
0x6c: {  	_ =	shalt  }
0x6d: {  	_ =	shalt  }
0x6e: {  	_ =	shalt  }
0x6f: {  	_ =	shalt  }
0x70: {  	_ =	shalt  }
0x71: {  	_ =	shalt  }
0x72: {  	_ =	shalt  }
0x73: {  	_ =	shalt  }
0x74: {  	_ =	shalt  }
0x75: {  	_ =	shalt  }
0x76: {  	_ =	shalt  }
0x77: {  	_ =	shalt  }
0x78: {  	_ =	shalt  }
0x79: {  	_ =	shalt  }
0x7a: {  	_ =	shalt  }
0x7b: {  	_ =	shalt  }
0x7c: {  	_ =	shalt  }
0x7d: {  	_ =	shalt  }
0x7e: {  	_ =	shalt  }
0x7f: {  	_ =	shalt  }
0x80: {  	_ =	shalt  }
0x81: {  	_ =	shalt  }
0x82: {  	_ =	shalt  }
0x83: {  	_ =	shalt  }
0x84: {  	_ =	shalt  }
0x85: {  	_ =	shalt  }
0x86: {  	_ =	shalt  }
0x87: {  	_ =	shalt  }
.Lfunc_end0:
.L_simem_size_0:
called_computation_lowered:
.L_overlay_start_0:
0x88: {  	s2 =	sld [smem:$0x3FD9]  }
0x89: {  	s3 =	sld [smem:$0x3FFE];
	_ =	sdelay $0x1  }
0x8a: {  	s1 =	srdreg.scid  }
0x8b: {  	s0 =	sand.u32 $0x1, s1  }
0x8c: {  	s17 =	sshll.u32 s0, $0xA;
	s2 =	sadd.s32 s3, s2  }
0x8d: {  	s2 =	sadd.s32 s2, s17  }
0x8e: {  	[smem:$0x3FB8] =	sst s2  }
0x8f: {  	_ = 	snop  }
0x90: {  	s2 =	sld [smem:$0x3FD0];
	(tm) =	ssettm $0x1  }
0x91: {  	s18 =	sld [smem:$0x3FFB];
	_ =	sdelay $0x3  }
0x92: {  	_ =	strace s18  }
0x93: {  	s3 =	sld [smem:$0x3FFC];
	_ =	sdelay $0x3  }
0x94: {  	_ =	strace s3  }
0x95: {  	s3 =	sld [smem:$0x3FFD];
	_ =	sdelay $0x3  }
0x96: {  	_ =	strace s3  }
0x97: {  	_ =	strace $0x8FFFFFFF  }
0x98: {  	s19 =	sld [smem:$0x3FDB];
	_ =	sdelay $0x1  }
0x99: {  	s4 =	simm.s32 $_scs_section_size  }
0x9a: {  	s5 =	simm.s32 $_size__tile_overlayer_lowered;
	s6 =	simm.s32 $_tile_overlayer_lowered  }
0x9b: {  	s22 =	simm.s32 $0x1BFF;
	s21 =	sshll.u32 s6, $0x1;
	s3 =	sadd.s32 s4, s19  }
0x9c: {  	s7 =	simm.s32 $0x0;
	s20 =	sshll.u32 s5, $0x1;
	s5 =	sadd.s32 s21, s3  }
0x9d: {  	[timem:s7], [sflag:s22] =	dma.local [hbm:s5], s20  }
0x9e: {  	_ =	swait.ge [sflag:s22], s20  }
0x9f: {  	s4 =	ssub.s32 $0x0, s20;
	[sflag:s22] =	ssyncset.done $0x0  }
0xa0: {  	[sflag:s22] =	ssyncadd.s32 s4;
	_ =	sdelay $0x1  }
0xa1: {  	s23 =	simm.s32 $0x1B8B  }
0xa2: {  	_ =	swait.ge [sflag:s23], $0x1  }
0xa3: {  	[sflag:s23] =	ssyncset.done $0x0  }
0xa4: {  	s25 =	simm.s32 $0x1B8E;
	s24 =	sld [smem:$0x3FFE];
	[sflag:s23] =	ssyncadd.s32 $0xFFFFFFFF  }
0xa5: {  	s26 =	simm.s32 $execute0_lowered;
	[smem:$0x3FD2] =	sst s25  }
0xa6: {  	s5 =	sshll.u32 s26, $0x1;
	_ =	strace $0x80000046;
	[dreg:$0x1] =	wrdreg $0xFFFFFFFF  }
0xa7: {  	s28 =	simm.s32 $_size_execute0_lowered;
	s3 =	sadd.s32 s3, s5;
	[dreg:$0x0] =	wrdreg $0x0  }
0xa8: {  	s5 =	sshll.u32 s28, $0x1;
	[dreg:$0x2] =	wrdreg s3  }
0xa9: {  	[dreg:$0x3] =	wrdreg s5  }
0xaa: {  	[dreg:$0x4] =	wrdreg $0xC0  }
0xab: {  	_ =	task [dreg:s7], $0x5FFFF  }
0xac: {  	[dreg:$0x1] =	wrdreg $0xFFFFFFFF  }
0xad: {  	[dreg:$0x0] =	wrdreg $0x60  }
0xae: {  	[dreg:$0x2] =	wrdreg s24  }
0xaf: {  	[dreg:$0x3] =	wrdreg s2  }
0xb0: {  	[dreg:$0x4] =	wrdreg $0xA0000  }
0xb1: {  	[dreg:$0x5] =	wrdreg $0x50000  }
0xb2: {  	[dreg:$0x6] =	wrdreg $0x0  }
0xb3: {  	[dreg:$0x7] =	wrdreg $0x9  }
0xb4: {  	_ =	task.clear_ibuf [dreg:s7], $0x8FFFF;
	_ =	strace $0x90000046  }
0xb5: {  	s29 =	simm.s32 $0x9;
	_ =	strace $0x80000048  }
0xb6: {  	_ =	swait.ge [sflag:s29], $0x1  }
0xb7: {  	[sflag:s29] =	ssyncadd.s32 $0xFFFFFFFF  }
0xb8: {  	_ =	strace $0x90000048  }
0xb9: {  	_ =	sfence  }
0xba: {  	s30 =	sld [smem:$0x0];
	_ =	sdelay $0x2  }
0xbb: {  	s31 =	sshll.u32 s1, $0xD;
	s1 =	sshrl.u32 s1, $0x2  }
0xbc: {  	s3 =	sand.u32 $0x4000, s31;
	s1 =	sadd.s32 s1, s30  }
0xbd: {  	s0 =	sor.u32 s3, s0;
	s1 =	sshll.u32 s1, $0x11  }
0xbe: {  	s0 =	sor.u32 s1, s0  }
0xbf: {  	s0 =	sadd.s32 $0x8F2B, s0  }
0xc0: {  	[sflag:s0] =	ssyncadd.remote.s32 $0x1  }
0xc1: {  	_ =	sfence.sel $0xFFFF  }
0xc2: {  	[dreg:$0x0] =	wrdreg $0xFFFFFFFF;
	(pc) =	sbr.abs _section_cstart, $3  }
0xc3: {  	[dreg:$0x1] =	wrdreg $0xFFFFFFFF  }
0xc4: {  	_ =	task.clear_ibuf [dreg:s7], $0x2FFFF;
	_ =	strace $0x9FFFFFFF  }
0xc5: {  	(tm) =	ssettm $0x7FFFFFFF  }
tec
execute0_lowered:
.L_overlay_start_1:
0x0: {  	(tag) =	ssettag $0x1  }
0x1: {  	s0 =	rddreg [dreg:$0x0]  }
0x2: {  	s1 =	rddreg [dreg:$0x1]  }
0x3: {  	s2 =	rddreg [dreg:$0x2]  }
0x4: {  	s3 =	rddreg [dreg:$0x3]  }
0x5: {  	s4 =	rddreg [dreg:$0x4];
	s15 =	stileid.u32  }
0x6: {  	s7 =	srdreg.scid;
	s5 =	simm.s32 $0x0;
	s6 =	smul.u32 $0x5000, s15  }
0x7: {  	s28 =	simm.s32 $0xA668;
	s29 =	simm.s32 $0xAA50;
	s13 =	smul.u32 $0x2710, s15  }
0x8: {  	s30 =	simm.s32 $0xAE38;
	s31 =	simm.s32 $0xB220;
	s21 =	smul.u32 $0x1388, s15  }
0x9: {  	s7 =	sand.u32 $0x1, s7;
	[smem:$0x7FF] =	sst s5;
	s15 =	smul.u32 $0x280, s15  }
0xa: {  	s11 =	sadd.s32 $0x2A00, s0;
	s10 =	sadd.s32 $0x16800, s0;
	s9 =	smul.u32 $0x50000, s7  }
0xb: {  	_ =	strace $0x80000047;
	[dreg:$0x6] =	wrdreg s10;
	s17 =	ssub.s32 $0x2, s7  }
0xc: {  	s18 =	smul.u32 $0x13880, s7;
	p0 =	sne.s32 s7, $0x0;
	s7 =	simm.s32 $0xC5A8  }
0xd: {  	s8 =	sshrl.u32 s6, $0x3;
	s12 =	sshrl.u32 s17, $0x1;
	s19 =	sshrl.u32 s13, $0x3  }
0xe: {  	s20 =	sadd.s32 $0x28488, s13;
	s24 =	sshrl.u32 s15, $0x3;
	s25 =	sadd.s32 s6, s4  }
0xf: {  	s8 =	sadd.s32 s8, s0;
	s9 =	sadd.s32 s6, s9;
	s14 =	ssub.s32 s17, s12  }
0x10: {  	s10 =	sadd.s32 s11, s19;
	s12 =	sshrl.u32 s20, $0x3;
	s23 =	sadd.s32 s21, s18  }
0x11: {  	s1 =	sadd.s32 s1, s24;
	[dreg:$0xb] =	wrdreg s25;
	s18 =	simm.s32 $0xA280  }
0x12: {  	s19 =	simm.s32 $0xB608;
	s20 =	simm.s32 $0x1C790;
	s21 =	simm.s32 $0x3  }
0x13: {  	s24 =	simm.s32 $0x2;
	s25 =	simm.s32 $0x3E8;
	s9 =	sshrl.u32 s9, $0x3  }
0x14: {  	s10 =	sadd.s32 $0x4E20, s10;
	s22 =	sadd.s32 s11, s12;
	s12 =	sshrl.u32 s23, $0x3  }
0x15: {  	s8 =	sadd.s32 $0xC800, s8;
	[dreg:$0xa] =	wrdreg s1;
	s17 =	smax.u32 s14, $0x1  }
0x16: {  	s23 =	simm.s32 $0x1;
	s1 =	simm.s32 $0xB9F0;
	[dreg:$0x7] =	wrdreg s10  }
0x17: {  	s0 =	sadd.s32 s9, s0;
	[dreg:$0x8] =	wrdreg s22;
	s9 =	sadd.s32 s15, s2  }
0x18: {  	s10 =	sadd.s32 s6, s3;
	[dreg:$0x9] =	wrdreg s8;
	s12 =	sadd.s32 s11, s12  }
0x19: {  	s22 =	simm.s32 $0xC990;
	s6 =	simm.s32 $0xC1C0;
	s8 =	simm.s32 $0x14690  }
0x1a: {  	s11 =	simm.s32 $0x0;
	s26 =	sadd.s32 $0x4E20, s12;
	s16 =	sadd.s32 $0x1B800, s0  }
0x1b: {  	v0 =	vimm.f32 $1.000000000e+00;
	v1 =	vimm.f32 $0.0e+00;
	s0 =	simm.s32 $0xBDD8;
	[dreg:$0xc] =	wrdreg s26;
	s26 =	simm.s32 $0x1C390  }
.LBB2_1:
0x1c: {  	s13 =	rddreg [dreg:$0x7]  }
0x1d: {  	[tilespmem:s18], [sflag:$0x1] =	stream.linear.gather [hbm4b:s13+s5], $0x1388, $0x38;
	[tilespmem:$0x1CC90] =	vst v63  }
0x1e: {  	s15 =	rddreg [dreg:$0x8];
	s14 =	simm.s32 $0x0;
	s13 =	simm.s32 $0x40  }
0x1f: {  	[tilespmem:s19], [sflag:$0x2] =	stream.linear.gather [hbm4b:s15+s5], $0x1388, $0x38;
	[tilespmem:$0x1CC90] =	vst v63  }
.LBB2_2:
0x20: {  	p1 =	sne.s32 s13, $0xFC0;
	[tilespmem:s14+$0x1C390] =	vst v0;
	s14 =	smov.u32 s13;
	s13 =	sadd.s32 $0x40, s13  }
.Ltmp0:
0x21: {  	(pc) =	sbr.rel @p1 .LBB2_2-.Ltmp0, $2  }
0x22: {  	_ =	sdelay $0x2  }
0x23: {  	s14 =	sshra.s32 s14, $0x2  }
0x24: {  	[tilespmem:s14+$0x1C390] =	vst v0  }
0x25: {  	[tilespmem:$0x1C790] =	vst v1  }
0x26: {  	[tilespmem:$0x1C7A0] =	vst v1  }
0x27: {  	[tilespmem:$0x1C7B0] =	vst v1  }
0x28: {  	[tilespmem:$0x1C7C0] =	vst v1  }
0x29: {  	[tilespmem:$0x1C7D0] =	vst v1  }
0x2a: {  	[tilespmem:$0x1C7E0] =	vst v1  }
0x2b: {  	[tilespmem:$0x1C7F0] =	vst v1  }
0x2c: {  	[tilespmem:$0x1C800] =	vst v1  }
0x2d: {  	[tilespmem:$0x1C810] =	vst v1  }
0x2e: {  	[tilespmem:$0x1C820] =	vst v1  }
0x2f: {  	[tilespmem:$0x1C830] =	vst v1  }
0x30: {  	[tilespmem:$0x1C840] =	vst v1  }
0x31: {  	[tilespmem:$0x1C850] =	vst v1  }
0x32: {  	[tilespmem:$0x1C860] =	vst v1  }
0x33: {  	[tilespmem:$0x1C870] =	vst v1  }
0x34: {  	[tilespmem:$0x1C880] =	vst v1  }
0x35: {  	[tilespmem:$0x1C890] =	vst v1  }
0x36: {  	[tilespmem:$0x1C8A0] =	vst v1  }
0x37: {  	[tilespmem:$0x1C8B0] =	vst v1  }
0x38: {  	[tilespmem:$0x1C8C0] =	vst v1  }
0x39: {  	[tilespmem:$0x1C8D0] =	vst v1  }
0x3a: {  	[tilespmem:$0x1C8E0] =	vst v1  }
0x3b: {  	[tilespmem:$0x1C8F0] =	vst v1  }
0x3c: {  	[tilespmem:$0x1C900] =	vst v1  }
0x3d: {  	[tilespmem:$0x1C910] =	vst v1  }
0x3e: {  	[tilespmem:$0x1C920] =	vst v1  }
0x3f: {  	[tilespmem:$0x1C930] =	vst v1  }
0x40: {  	[tilespmem:$0x1C940] =	vst v1  }
0x41: {  	[tilespmem:$0x1C950] =	vst v1  }
0x42: {  	[tilespmem:$0x1C960] =	vst v1  }
0x43: {  	[tilespmem:$0x1C970] =	vst v1  }
0x44: {  	[tilespmem:$0x1C980] =	vst v1  }
0x45: {  	[tilespmem:$0x1C990] =	vst v1  }
0x46: {  	[tilespmem:$0x1C9A0] =	vst v1  }
0x47: {  	[tilespmem:$0x1C9B0] =	vst v1  }
0x48: {  	[tilespmem:$0x1C9C0] =	vst v1  }
0x49: {  	[tilespmem:$0x1C9D0] =	vst v1  }
0x4a: {  	[tilespmem:$0x1C9E0] =	vst v1  }
0x4b: {  	[tilespmem:$0x1C9F0] =	vst v1  }
0x4c: {  	s13 =	simm.s32 $0x80;
	s14 =	simm.s32 $0x0;
	[tilespmem:$0x1CA00] =	vst v1  }
.LBB2_4:
0x4d: {  	p1 =	sne.s32 s13, $0x13F80;
	[tilespmem:s14+$0xC990] =	vst v1;
	s15 =	smov.u32 s13;
	s13 =	sadd.s32 $0x80, s13  }
.Ltmp1:
0x4e: {  	[tilespmem:s14+$0xC9A0] =	vst v1;
	(pc) =	sbr.rel @p1 .LBB2_4-.Ltmp1, $2  }
0x4f: {  	_ =	sdelay $0x2  }
0x50: {  	s14 =	sshra.s32 s15, $0x2  }
0x51: {  	[tilespmem:s14+$0xC990] =	vst v1  }
0x52: {  	[tilespmem:s14+$0xC9A0] =	vst v1  }
0x53: {  	[spmem:s9] =	stream.linear.scatter [tilespmem:s20], [sflag:$0x3], $0x280, $0x38;
	[tilespmem:$0x1CC90] =	vst v63  }
0x54: {  	_ =	swait.ge [sflag:s21], $0x280  }
0x55: {  	[sflag:s21] =	ssyncset.done $0x0  }
0x56: {  	[sflag:s21] =	ssyncadd.s32 $0xFFFFFD80  }
0x57: {  	[spmem:s10] =	stream.linear.scatter [tilespmem:s22], [sflag:$0x3], $0x5000, $0x38;
	[tilespmem:$0x1CC90] =	vst v63  }
0x58: {  	_ =	swait.ge [sflag:s21], $0x5000  }
0x59: {  	[sflag:s21] =	ssyncset.done $0x0  }
0x5a: {  	[sflag:s21] =	ssyncadd.s32 $0xFFFFB000  }
0x5b: {  	_ =	swait.ge [sflag:s23], $0x1388  }
0x5c: {  	[sflag:s23] =	ssyncset.done $0x0  }
0x5d: {  	[sflag:s23] =	ssyncadd.s32 $0xFFFFEC78  }
0x5e: {  	_ =	swait.ge [sflag:s24], $0x1388  }
0x5f: {  	[sflag:s24] =	ssyncset.done $0x0  }
0x60: {  	[sflag:s24] =	ssyncadd.s32 $0xFFFFEC78  }
0x61: {  	[bflag:$0x0] =	sbarrier.arrive $0xFFFF  }
0x62: {  	[spmem:s2] =	stream.indirect.scatter.add.f32 [tilespmem:s26], [sflag:$0x1], $0x1, s18, s25, $0xb8;
	[tilespmem:$0x1CC90] =	vst v63  }
0x63: {  	_ = 	snop  }
0x64: {  	[spmem:s2] =	stream.indirect.scatter.add.f32 [tilespmem:s26], [sflag:$0x1], $0x1, s28, s25, $0xb8;
	[tilespmem:$0x1CC90] =	vst v63  }
0x65: {  	_ = 	snop  }
0x66: {  	[spmem:s2] =	stream.indirect.scatter.add.f32 [tilespmem:s26], [sflag:$0x1], $0x1, s29, s25, $0xb8;
	[tilespmem:$0x1CC90] =	vst v63  }
0x67: {  	_ = 	snop  }
0x68: {  	[spmem:s2] =	stream.indirect.scatter.add.f32 [tilespmem:s26], [sflag:$0x1], $0x1, s30, s25, $0xb8;
	[tilespmem:$0x1CC90] =	vst v63  }
0x69: {  	_ = 	snop  }
0x6a: {  	[spmem:s2] =	stream.indirect.scatter.add.f32 [tilespmem:s26], [sflag:$0x1], $0x1, s31, s25, $0xb8;
	[tilespmem:$0x1CC90] =	vst v63  }
0x6b: {  	_ = 	snop  }
0x6c: {  	[spmem:s2] =	stream.indirect.scatter.add.f32 [tilespmem:s26], [sflag:$0x2], $0x1, s19, s25, $0xb8;
	[tilespmem:$0x1CC90] =	vst v63  }
0x6d: {  	_ = 	snop  }
0x6e: {  	[spmem:s2] =	stream.indirect.scatter.add.f32 [tilespmem:s26], [sflag:$0x2], $0x1, s1, s25, $0xb8;
	[tilespmem:$0x1CC90] =	vst v63  }
0x6f: {  	_ = 	snop  }
0x70: {  	[spmem:s2] =	stream.indirect.scatter.add.f32 [tilespmem:s26], [sflag:$0x2], $0x1, s0, s25, $0xb8;
	[tilespmem:$0x1CC90] =	vst v63  }
0x71: {  	_ = 	snop  }
0x72: {  	[spmem:s2] =	stream.indirect.scatter.add.f32 [tilespmem:s26], [sflag:$0x2], $0x1, s6, s25, $0xb8;
	[tilespmem:$0x1CC90] =	vst v63  }
0x73: {  	_ = 	snop  }
0x74: {  	[spmem:s2] =	stream.indirect.scatter.add.f32 [tilespmem:s26], [sflag:$0x2], $0x1, s7, s25, $0xb8;
	[tilespmem:$0x1CC90] =	vst v63  }
0x75: {  	s13 =	simm.s32 $0x0;
	s15 =	rddreg [dreg:$0x9]  }
0x76: {  	[tilespmem:s8], [sflag:$0x3] =	stream.linear.gather [hbm4b:s15+s13], $0x5000, $0x38;
	[tilespmem:$0x1CC90] =	vst v63  }
0x77: {  	_ =	swait.ge [sflag:s21], $0x5000  }
0x78: {  	[sflag:s21] =	ssyncset.done $0x0  }
0x79: {  	[sflag:s21] =	ssyncadd.s32 $0xFFFFB000  }
0x7a: {  	_ =	swait.ge [sflag:s23], $0x3E8  }
0x7b: {  	[sflag:s23] =	ssyncset.done $0x0  }
0x7c: {  	[sflag:s23] =	ssyncadd.s32 $0xFFFFFC18  }
0x7d: {  	_ =	swait.ge [sflag:s23], $0x3E8  }
0x7e: {  	[sflag:s23] =	ssyncset.done $0x0  }
0x7f: {  	[sflag:s23] =	ssyncadd.s32 $0xFFFFFC18  }
0x80: {  	_ =	swait.ge [sflag:s23], $0x3E8  }
0x81: {  	[sflag:s23] =	ssyncset.done $0x0  }
0x82: {  	[sflag:s23] =	ssyncadd.s32 $0xFFFFFC18  }
0x83: {  	_ =	swait.ge [sflag:s23], $0x3E8  }
0x84: {  	[sflag:s23] =	ssyncset.done $0x0  }
0x85: {  	[sflag:s23] =	ssyncadd.s32 $0xFFFFFC18  }
0x86: {  	_ =	swait.ge [sflag:s23], $0x3E8  }
0x87: {  	[sflag:s23] =	ssyncset.done $0x0  }
0x88: {  	[sflag:s23] =	ssyncadd.s32 $0xFFFFFC18  }
0x89: {  	_ =	swait.ge [sflag:s24], $0x3E8  }
0x8a: {  	[sflag:s24] =	ssyncset.done $0x0  }
0x8b: {  	[sflag:s24] =	ssyncadd.s32 $0xFFFFFC18  }
0x8c: {  	_ =	swait.ge [sflag:s24], $0x3E8  }
0x8d: {  	[sflag:s24] =	ssyncset.done $0x0  }
0x8e: {  	[sflag:s24] =	ssyncadd.s32 $0xFFFFFC18  }
0x8f: {  	_ =	swait.ge [sflag:s24], $0x3E8  }
0x90: {  	[sflag:s24] =	ssyncset.done $0x0  }
0x91: {  	[sflag:s24] =	ssyncadd.s32 $0xFFFFFC18  }
0x92: {  	_ =	swait.ge [sflag:s24], $0x3E8  }
0x93: {  	[sflag:s24] =	ssyncset.done $0x0  }
0x94: {  	[sflag:s24] =	ssyncadd.s32 $0xFFFFFC18  }
0x95: {  	_ =	swait.ge [sflag:s24], $0x3E8  }
0x96: {  	[sflag:s24] =	ssyncset.done $0x0  }
0x97: {  	[sflag:s24] =	ssyncadd.s32 $0xFFFFFC18  }
0x98: {  	[bflag:$0x0] =	sbarrier.arrive $0xFFFF  }
0x99: {  	[tilespmem:s20], [sflag:$0x3] =	stream.linear.gather [spmem:s9], $0x280, $0x38;
	[tilespmem:$0x1CC90] =	vst v63  }
0x9a: {  	_ =	swait.ge [sflag:s21], $0x280  }
0x9b: {  	[sflag:s21] =	ssyncset.done $0x0  }
0x9c: {  	s13 =	simm.s32 $0x0;
	[sflag:s21] =	ssyncadd.s32 $0xFFFFFD80  }
0x9d: {  	s14 =	simm.s32 $0x40;
	v2 =	vld [tilespmem:s13+$0x1C790]  }
.LBB2_6:
0x9e: {  	_ =	sdelay $0x1  }
0x9f: {  	p1 =	sne.s32 s14, $0x9C0  }
.Ltmp2:
0xa0: {  	_ = 	snop;
	(pc) =	sbr.rel @p1 .LBB2_6-.Ltmp2, $4  }
0xa1: {  	v3 =	vtrunc.f32 v2  }
0xa2: {  	v3 =	vcvt.f32.s32 v3  }
0xa3: {  	s15 =	sshra.s32 s14, $0x2  }
0xa4: {  	s14 =	sadd.s32 $0x40, s14;
	v2 =	vld [tilespmem:s15+$0x1C790];
	[tilespmem:s13+$0x1CA10] =	vst v3;
	s13 =	smov.u32 s15  }
0xa5: {  	_ =	sdelay $0x3  }
0xa6: {  	v2 =	vtrunc.f32 v2  }
0xa7: {  	v2 =	vcvt.f32.s32 v2;
	_ =	sdelay $0x1  }
0xa8: {  	s14 =	simm.s32 $0x280;
	s15 =	simm.s32 $0x1CA10;
	[tilespmem:s13+$0x1CA10] =	vst v2;
	s13 =	rddreg [dreg:$0x6]  }
0xa9: {  	[tilespmem:s20], [sflag:$0x1] =	stream.indirect.gather [hbm4b:s13+s14], $0x1, s15, s14, $0xb8;
	[tilespmem:$0x1CC90] =	vst v63  }
0xaa: {  	_ =	swait.ge [sflag:s23], $0x280  }
0xab: {  	s13 =	simm.s32 @!p0 $0x0;
	[sflag:s23] =	ssyncset.done $0x0  }
0xac: {  	s14 =	simm.s32 @!p0 $0x1C790;
	s15 =	rddreg [dreg:$0xa];
	[sflag:s23] =	ssyncadd.s32 $0xFFFFFD80  }
0xad: {  	[hbm4b:s15+s13] =	stream.linear.scatter @!p0 [tilespmem:s14], [sflag:$0x3], $0x280, $0x38;
	[tilespmem:$0x1CC90] =	vst v63  }
0xae: {  	s15 =	simm.s32 $0x0;
	s14 =	simm.s32 @!p0 $0x3  }
0xaf: {  	v2 =	vmov s15;
	_ =	swait.ge @!p0 [sflag:s14], $0x280  }
0xb0: {  	[sflag:s14] =	ssyncset.done @!p0 $0x0  }
0xb1: {  	s13 =	simm.s32 $0x146A0;
	[sflag:s14] =	ssyncadd.s32 @!p0 $0xFFFFFD80  }
0xb2: {  	v3 =	vld [tilespmem:s13+$0xFFFFFFF0]  }
0xb3: {  	v5 =	vld [tilespmem:s13+$0x0]  }
0xb4: {  	v4 =	vld.idx.msk [tilespmem:v2+s20+$0x0], $0xffff;
	_ =	sdelay $0x2  }
0xb5: {  	s15 =	simm.s32 $0x1  }
0xb6: {  	s14 =	simm.s32 $0x146A0;
	v2 =	vmov s15;
	s15 =	simm.s32 $0x2  }
.LBB2_8:
0xb7: {  	p1 =	sne.s32 s15, $0x27F;
	v3 =	vmul.f32 v3, v4;
	v4 =	vmul.f32 v5, v4;
	_ =	sdelay $0x1  }
0xb8: {  	s14 =	sadd.s32 $0x20, s14;
	[tilespmem:s13+$0xFFFFFFF0] =	vst v3  }
0xb9: {  	v3 =	vld [tilespmem:s14+$0xFFFFFFF0];
	[tilespmem:s13+$0x0] =	vst v4;
	s13 =	smov.u32 s14  }
0xba: {  	v4 =	vld.idx.msk [tilespmem:v2+s20+$0x0], $0xffff  }
.Ltmp3:
0xbb: {  	v5 =	vld [tilespmem:s14+$0x0];
	(pc) =	sbr.rel @p1 .LBB2_8-.Ltmp3, $2  }
0xbc: {  	_ =	sdelay $0x2  }
0xbd: {  	v2 =	vmov s15;
	s15 =	sadd.s32 $0x1, s15  }
0xbe: {  	v3 =	vmul.f32 v3, v4  }
0xbf: {  	v63 =	vmul.f32 v5, v4  }
0xc0: {  	s14 =	sadd.s32 $0x20, s14;
	[tilespmem:s13+$0xFFFFFFF0] =	vst v3  }
0xc1: {  	v3 =	vld [tilespmem:s14+$0xFFFFFFF0];
	[tilespmem:s13+$0x0] =	vst v63  }
0xc2: {  	v2 =	vld.idx.msk [tilespmem:v2+s20+$0x0], $0xffff  }
0xc3: {  	v4 =	vld [tilespmem:s14+$0x0];
	_ =	sdelay $0x3  }
0xc4: {  	v3 =	vmul.f32 v3, v2  }
0xc5: {  	v2 =	vmul.f32 v4, v2  }
0xc6: {  	[tilespmem:s14+$0xFFFFFFF0] =	vst v3  }
0xc7: {  	[tilespmem:s14+$0x0] =	vst v2;
	s14 =	rddreg [dreg:$0xb]  }
0xc8: {  	[spmem:s14] =	stream.linear.scatter [tilespmem:s8], [sflag:$0x3], $0x5000, $0x38;
	[tilespmem:$0x1CC90] =	vst v63  }
0xc9: {  	_ =	swait.ge [sflag:s21], $0x5000  }
0xca: {  	[sflag:s21] =	ssyncset.done $0x0  }
0xcb: {  	[sflag:s21] =	ssyncadd.s32 $0xFFFFB000  }
0xcc: {  	[bflag:$0x0] =	sbarrier.arrive $0xFFFF  }
0xcd: {  	[tilespmem:s18], [sflag:$0x1] =	stream.linear.gather [hbm4b:s12+s5], $0x1388, $0x38;
	[tilespmem:$0x1CC90] =	vst v63  }
0xce: {  	s15 =	rddreg [dreg:$0xc]  }
0xcf: {  	[tilespmem:s19], [sflag:$0x2] =	stream.linear.gather [hbm4b:s15+s5], $0x1388, $0x38;
	[tilespmem:$0x1CC90] =	vst v63  }
0xd0: {  	_ =	swait.ge [sflag:s23], $0x1388  }
0xd1: {  	[sflag:s23] =	ssyncset.done $0x0  }
0xd2: {  	[sflag:s23] =	ssyncadd.s32 $0xFFFFEC78  }
0xd3: {  	_ =	swait.ge [sflag:s24], $0x1388  }
0xd4: {  	[sflag:s24] =	ssyncset.done $0x0  }
0xd5: {  	[sflag:s24] =	ssyncadd.s32 $0xFFFFEC78  }
0xd6: {  	[tilespmem:s22], [sflag:$0x1] =	stream.indirect.gather [spmem:s4], $0x20, s18, s25, $0xb8;
	[tilespmem:$0x1CC90] =	vst v63  }
0xd7: {  	_ =	swait.ge [sflag:s23], $0x7D00  }
0xd8: {  	[sflag:s23] =	ssyncset.done $0x0  }
0xd9: {  	[sflag:s23] =	ssyncadd.s32 $0xFFFF8300  }
0xda: {  	[tilespmem:s8], [sflag:$0x2] =	stream.indirect.gather [spmem:s4], $0x20, s28, s25, $0xb8;
	[tilespmem:$0x1CC90] =	vst v63  }
0xdb: {  	_ = 	snop  }
0xdc: {  	[spmem:s3] =	stream.indirect.scatter.add.f32 [tilespmem:s22], [sflag:$0x3], $0x20, s19, s25, $0xb8;
	[tilespmem:$0x1CC90] =	vst v63  }
0xdd: {  	_ =	swait.ge [sflag:s21], $0x7D00  }
0xde: {  	[sflag:s21] =	ssyncset.done $0x0  }
0xdf: {  	[sflag:s21] =	ssyncadd.s32 $0xFFFF8300  }
0xe0: {  	_ =	swait.ge [sflag:s24], $0x7D00  }
0xe1: {  	[sflag:s24] =	ssyncset.done $0x0  }
0xe2: {  	[sflag:s24] =	ssyncadd.s32 $0xFFFF8300  }
0xe3: {  	[tilespmem:s22], [sflag:$0x1] =	stream.indirect.gather [spmem:s4], $0x20, s29, s25, $0xb8;
	[tilespmem:$0x1CC90] =	vst v63  }
0xe4: {  	_ = 	snop  }
0xe5: {  	[spmem:s3] =	stream.indirect.scatter.add.f32 [tilespmem:s8], [sflag:$0x3], $0x20, s1, s25, $0xb8;
	[tilespmem:$0x1CC90] =	vst v63  }
0xe6: {  	_ =	swait.ge [sflag:s21], $0x7D00  }
0xe7: {  	[sflag:s21] =	ssyncset.done $0x0  }
0xe8: {  	[sflag:s21] =	ssyncadd.s32 $0xFFFF8300  }
0xe9: {  	_ =	swait.ge [sflag:s23], $0x7D00  }
0xea: {  	[sflag:s23] =	ssyncset.done $0x0  }
0xeb: {  	[sflag:s23] =	ssyncadd.s32 $0xFFFF8300  }
0xec: {  	[tilespmem:s8], [sflag:$0x2] =	stream.indirect.gather [spmem:s4], $0x20, s30, s25, $0xb8;
	[tilespmem:$0x1CC90] =	vst v63  }
0xed: {  	_ = 	snop  }
0xee: {  	[spmem:s3] =	stream.indirect.scatter.add.f32 [tilespmem:s22], [sflag:$0x3], $0x20, s0, s25, $0xb8;
	[tilespmem:$0x1CC90] =	vst v63  }
0xef: {  	_ =	swait.ge [sflag:s21], $0x7D00  }
0xf0: {  	[sflag:s21] =	ssyncset.done $0x0  }
0xf1: {  	[sflag:s21] =	ssyncadd.s32 $0xFFFF8300  }
0xf2: {  	_ =	swait.ge [sflag:s24], $0x7D00  }
0xf3: {  	[sflag:s24] =	ssyncset.done $0x0  }
0xf4: {  	[sflag:s24] =	ssyncadd.s32 $0xFFFF8300  }
0xf5: {  	[tilespmem:s22], [sflag:$0x1] =	stream.indirect.gather [spmem:s4], $0x20, s31, s25, $0xb8;
	[tilespmem:$0x1CC90] =	vst v63  }
0xf6: {  	_ = 	snop  }
0xf7: {  	[spmem:s3] =	stream.indirect.scatter.add.f32 [tilespmem:s8], [sflag:$0x3], $0x20, s6, s25, $0xb8;
	[tilespmem:$0x1CC90] =	vst v63  }
0xf8: {  	_ =	swait.ge [sflag:s21], $0x7D00  }
0xf9: {  	[sflag:s21] =	ssyncset.done $0x0  }
0xfa: {  	[sflag:s21] =	ssyncadd.s32 $0xFFFF8300  }
0xfb: {  	_ =	swait.ge [sflag:s23], $0x7D00  }
0xfc: {  	[sflag:s23] =	ssyncset.done $0x0  }
0xfd: {  	[sflag:s23] =	ssyncadd.s32 $0xFFFF8300  }
0xfe: {  	[spmem:s3] =	stream.indirect.scatter.add.f32 [tilespmem:s22], [sflag:$0x3], $0x20, s7, s25, $0xb8;
	[tilespmem:$0x1CC90] =	vst v63  }
0xff: {  	s14 =	stileid.u32;
	_ =	swait.ge [sflag:s21], $0x7D00  }
0x100: {  	s11 =	sadd.s32 $0x1, s11;
	s13 =	sshll.u32 s14, $0x6;
	[sflag:s21] =	ssyncset.done $0x0  }
0x101: {  	p1 =	sne.s32 s11, s17;
	s13 =	sor.u32 $0x1C03, s13;
	[sflag:s21] =	ssyncadd.s32 $0xFFFF8300  }
.Ltmp4:
0x102: {  	s15 =	sshrl.u32 s10, $0x3;
	[bflag:$0x0] =	sbarrier.arrive $0xFFFF;
	(pc) =	sbr.rel @p1 .LBB2_1-.Ltmp4, $4  }
0x103: {  	[hbm:s16], [sflag:s13] =	dma.local [spmem:s15], $0xA00  }
0x104: {  	_ =	swait.ge [sflag:s21], $0xA00  }
0x105: {  	[sflag:s21] =	ssyncset.done $0x0  }
0x106: {  	[sflag:s21] =	ssyncadd.s32 $0xFFFFF600  }
0x107: {  	_ =	sfence.sel $0x180000  }
0x108: {  	[bflag:$0x0] =	sbarrier.arrive $0xFFFF  }
0x109: {  	_ =	strace $0x90000047  }
0x10a: {  	s0 =	stileid.u32;
	[bflag:$0x2] =	sbarrier.arrive $0xFFFF  }
0x10b: {  	p0 =	sne.s32 s0, $0x0;
	s0 =	rddreg [dreg:$0x5]  }
0x10c: {  	s0 =	sadd.s32 @!p0 $0x100000, s0  }
0x10d: {  	[sflag:s0] =	ssyncadd.tile.s32 @!p0 $0x1;
	_ =	shalt  }
.Lfunc_end2:
_tile_overlayer_lowered:
.L_overlay_start_2:
0x10e: {  	(tag) =	ssettag $0x2  }
0x10f: {  	s0 =	rddreg [dreg:$0x0];
	s2 =	stileid.u32  }
0x110: {  	s1 =	rddreg [dreg:$0x1];
	p0 =	sne.s32 s2, $0x0  }
0x111: {  	s3 =	rddreg [dreg:$0x2];
	[bflag:$0x3] =	sbarrier.arrive $0xFFFF;
	s2 =	simm.s32 @!p0 $0x1C03  }
0x112: {  	[timem:s3], [sflag:s2] =	dma.local @!p0 [hbm:s0], s1  }
0x113: {  	s0 =	simm.s32 @!p0 $0x3  }
0x114: {  	_ =	swait.ge @!p0 [sflag:s0], s1  }
0x115: {  	s1 =	ssub.s32 @!p0 $0x0, s1;
	[sflag:s0] =	ssyncset.done @!p0 $0x0  }
0x116: {  	[sflag:s0] =	ssyncadd.s32 @!p0 s1  }
0x117: {  	[bflag:$0x3] =	sbarrier.arrive $0xFFFF  }
0x118: {  	_ =	shalt  }

</sc_bundles>
